<compile_context>
chip_gen: v7x
topology: tpu7x:2x2x1
jax: 0.10.2.dev20260603
libtpu: 0.0.44.dev20260713+nightly
codegen_flags: <defaults>
</compile_context>

<pallas_src>
import functools

import jax
import jax.numpy as jnp
from jax import lax
from jax.experimental import pallas as pl
from jax.experimental.pallas import tpu as pltpu
from jax.experimental.pallas import tpu_sc as plsc

_N = 10
_D = 256
_NC = 2
_NS = 16

_sc_mesh = plsc.VectorSubcoreMesh(core_axis_name="c", subcore_axis_name="s")


@functools.partial(
    pl.kernel,
    out_type=jax.ShapeDtypeStruct((_N, _D), jnp.float32),
    mesh=_sc_mesh,
    scratch_types=[
        pltpu.VMEM((8,), jnp.int32),
        pltpu.VMEM((4, _D), jnp.float32),
        pltpu.VMEM((1, _D), jnp.float32),
        pltpu.SemaphoreType.DMA,
    ],
)
def _sc_aggregate(nb_hbm, out2_hbm, vec4_hbm, idx_v, rows_v, acc_v, sem):
    wid = lax.axis_index("s") * _NC + lax.axis_index("c")

    @pl.when(wid < _N)
    def _():
        pltpu.sync_copy(nb_hbm.at[wid], idx_v)
        pltpu.async_copy(out2_hbm.at[idx_v.at[pl.ds(0, 4)]], rows_v, sem).wait()
        for c in range(_D // 16):
            s = pl.ds(c * 16, 16)
            acc_v[0, s] = (rows_v[0, s] + rows_v[1, s]
                           + rows_v[2, s] + rows_v[3, s]) * 0.25
        pltpu.sync_copy(acc_v, vec4_hbm.at[pl.ds(wid, 1)])


def _tc_body(out1_ref, out2_ref, vec4_ref, Wc_ref, bc_ref, Wa_ref, ba_ref,
             out3_ref, out4_ref):
    a1 = jnp.concatenate([out1_ref[...], out2_ref[...]], axis=1)
    out3 = lax.dot_general(a1, Wc_ref[...], (((1,), (1,)), ((), ())),
                           preferred_element_type=jnp.float32)
    out3_ref[...] = out3 + bc_ref[...][None, :]
    out4 = lax.dot_general(vec4_ref[...], Wa_ref[...],
                           (((1,), (1,)), ((), ())),
                           preferred_element_type=jnp.float32)
    out4_ref[...] = out4 + ba_ref[...][None, :]


def kernel(out1, out2, neighbour, W_comb, b_comb, W_agg, b_agg):
    self_idx = jnp.arange(_N, dtype=jnp.int32)[:, None]
    nb_pad = jnp.concatenate(
        [self_idx, neighbour,
         jnp.zeros((_N, 4), jnp.int32)], axis=1)
    vec4 = _sc_aggregate(nb_pad, out2)
    out3, out4 = pl.pallas_call(
        _tc_body,
        out_shape=(
            jax.ShapeDtypeStruct((_N, 512), jnp.float32),
            jax.ShapeDtypeStruct((_N, 512), jnp.float32),
        ),
    )(out1, out2, vec4, W_comb, b_comb, W_agg, b_agg)
    return (out3, out4)

# --- scband reference (transcript-rebuilt; emitter-appended) ---
"""Pipeline reference for scband-mesh2-80985903334298 (READ-ONLY COPY).

The authoritative reference and input builder live on the scoring server;
editing this copy changes nothing except your own understanding.
"""

import jax, jax.numpy as jnp
import numpy as np

n = 10

def setup_inputs(seed: int = 0) -> dict:
    key = jax.random.key(seed)
    k1, k2, k3, k4, k5 = jax.random.split(key, 5)
    out1 = jax.random.normal(k1, (n, 256), dtype=jnp.float32)
    out2 = jax.random.normal(k2, (n, 256), dtype=jnp.float32)
    neighbour = jax.random.randint(k3, (n, 3), 0, n, dtype=jnp.int32)
    # Combination2: nn.Conv1d(512, 512, 1) -> weight [512, 512, 1], bias [512]
    W_comb = jax.random.normal(k4, (512, 512), dtype=jnp.float32) * 0.02
    b_comb = jnp.zeros((512,), dtype=jnp.float32)
    # Aggregation2: nn.Conv1d(256, 512, 1) -> weight [512, 256, 1], bias [512]
    W_agg = jax.random.normal(k5, (512, 256), dtype=jnp.float32) * 0.02
    b_agg = jnp.zeros((512,), dtype=jnp.float32)
    return {"out1": out1, "out2": out2, "neighbour": neighbour,
            "W_comb": W_comb, "b_comb": b_comb,
            "W_agg": W_agg, "b_agg": b_agg}

def reference(out1, out2, neighbour, W_comb, b_comb, W_agg, b_agg):
    # Combination2: concat features, 1x1 conv == linear over channel dim
    a1 = jnp.concatenate([out1, out2], axis=1)            # [n, 512]
    out3 = a1 @ W_comb.T + b_comb                          # [n, 512]
    # Aggregation2: mean over self + 3 gathered neighbours, then 1x1 conv
    gathered = jnp.take(out2, neighbour, axis=0)           # [n, 3, 256]
    vec4 = (out2 + jnp.sum(gathered, axis=1)) / 4.0        # [n, 256]
    out4 = vec4 @ W_agg.T + b_agg                          # [n, 512]
    return (out3, out4)

if __name__ == "__main__":
    import jax
    _d = setup_inputs()
    print(jax.jit(kernel)(*tuple(_d.values())))

</pallas_src>

<mosaic_0001>
#map = affine_map<(d0, d1) -> (0, 0)>
module attributes {stable_mosaic.version = 14 : i64} {
  func.func @_sc_aggregate(%arg0: i32, %arg1: i32, %arg2: memref<10x8xi32, #tpu.memory_space<hbm>>, %arg3: memref<10x256xf32, #tpu.memory_space<hbm>>, %arg4: memref<10x256xf32, #tpu.memory_space<hbm>>, %arg5: memref<8xi32, #tpu.memory_space<vmem>>, %arg6: memref<4x256xf32, #tpu.memory_space<vmem>>, %arg7: memref<1x256xf32, #tpu.memory_space<vmem>>, %arg8: memref<!tpu.dma_semaphore, #tpu.memory_space<semaphore_mem>>) attributes {dimension_semantics = [#tpu.dimension_semantics<core_parallel>, #tpu.dimension_semantics<subcore_parallel>], iteration_bounds = array<i64: 2, 16>, scalar_prefetch = 0 : i64, scratch_operands = 4 : i64, tpu.core_type = #tpu.core_type<sc_vector_subcore>, window_params = [{transform_indices = #map}, {transform_indices = #map}, {transform_indices = #map}]} {
    %mul3A = arith.constant 2 : i32
    %mul3A_0 = arith.muli %arg1, %mul3A : i32
    %add3A = arith.addi %mul3A_0, %arg0 : i32
    %lt3A = arith.constant 10 : i32
    %lt3A_1 = arith.cmpi slt, %add3A, %lt3A : i32
    %convert_element_type3A = arith.extui %lt3A_1 : i1 to i32
    %cond3A = arith.constant 0 : i32
    %cond3A_2 = arith.cmpi ne, %convert_element_type3A, %cond3A : i32
    scf.if %cond3A_2 {
      "tpu.region"() ({
        %run_scoped3A = tpu.sem_alloc : memref<!tpu.dma_semaphore, #tpu.memory_space<semaphore_mem>>
        %dma_start3A_521 = arith.constant 0 : i32
        %dma_start3A_522 = tpu.memref_slice %arg2[%add3A, %dma_start3A_521] : memref<10x8xi32, #tpu.memory_space<hbm>> -> memref<1x8xi32, #tpu.memory_space<hbm>>
        %dma_start3A_523 = tpu.memref_squeeze %dma_start3A_522 : memref<1x8xi32, #tpu.memory_space<hbm>> -> memref<8xi32, #tpu.memory_space<hbm>>
        %dma_start3A_524 = arith.constant 0 : i32
        %dma_start3A_525 = tpu.memref_slice %arg2[%add3A, %dma_start3A_524] : memref<10x8xi32, #tpu.memory_space<hbm>> -> memref<1x8xi32, #tpu.memory_space<hbm>>
        %dma_start3A_526 = tpu.memref_squeeze %dma_start3A_525 : memref<1x8xi32, #tpu.memory_space<hbm>> -> memref<8xi32, #tpu.memory_space<hbm>>
        tpu.enqueue_dma source(%dma_start3A_526 : memref<8xi32, #tpu.memory_space<hbm>>) target(%arg5 : memref<8xi32, #tpu.memory_space<vmem>>) target_semaphore(%run_scoped3A : memref<!tpu.dma_semaphore, #tpu.memory_space<semaphore_mem>>)
        %dma_wait3A_527 = arith.constant 0 : i32
        %dma_wait3A_528 = tpu.memref_slice %arg2[%add3A, %dma_wait3A_527] : memref<10x8xi32, #tpu.memory_space<hbm>> -> memref<1x8xi32, #tpu.memory_space<hbm>>
        %dma_wait3A_529 = tpu.memref_squeeze %dma_wait3A_528 : memref<1x8xi32, #tpu.memory_space<hbm>> -> memref<8xi32, #tpu.memory_space<hbm>>
        %dma_wait3A_530 = arith.constant 0 : i32
        %dma_wait3A_531 = tpu.memref_slice %arg2[%add3A, %dma_wait3A_530] : memref<10x8xi32, #tpu.memory_space<hbm>> -> memref<1x8xi32, #tpu.memory_space<hbm>>
        %dma_wait3A_532 = tpu.memref_squeeze %dma_wait3A_531 : memref<1x8xi32, #tpu.memory_space<hbm>> -> memref<8xi32, #tpu.memory_space<hbm>>
        tpu.wait_dma2 semaphore(%run_scoped3A : memref<!tpu.dma_semaphore, #tpu.memory_space<semaphore_mem>>) src(%dma_wait3A_532 : memref<8xi32, #tpu.memory_space<hbm>>) dst(%arg5 : memref<8xi32, #tpu.memory_space<vmem>>)
        tpu.yield
      }) : () -> ()
      %dma_start3A = arith.constant 0 : i32
      %dma_start3A_3 = tpu.memref_slice %arg5[%dma_start3A] : memref<8xi32, #tpu.memory_space<vmem>> -> memref<4xi32, #tpu.memory_space<vmem>>
      %dma_start3A_4 = arith.constant 0 : i32
      %dma_start3A_5 = arith.constant 0 : i32
      %dma_start3A_6 = tpu.memref_slice %arg3[%dma_start3A_4, %dma_start3A_5] : memref<10x256xf32, #tpu.memory_space<hbm>> -> memref<10x256xf32, #tpu.memory_space<hbm>>
      tpu.enqueue_indirect_dma source(%dma_start3A_6 : memref<10x256xf32, #tpu.memory_space<hbm>>) target(%arg6 : memref<4x256xf32, #tpu.memory_space<vmem>>) offsets(%dma_start3A_3 : memref<4xi32, #tpu.memory_space<vmem>>) semaphore(%arg8 : memref<!tpu.dma_semaphore, #tpu.memory_space<semaphore_mem>>)
      %dma_wait3A = arith.constant 0 : i32
      %dma_wait3A_7 = tpu.memref_slice %arg5[%dma_wait3A] : memref<8xi32, #tpu.memory_space<vmem>> -> memref<4xi32, #tpu.memory_space<vmem>>
      %dma_wait3A_8 = arith.constant 0 : i32
      %dma_wait3A_9 = arith.constant 0 : i32
      %dma_wait3A_10 = tpu.memref_slice %arg3[%dma_wait3A_8, %dma_wait3A_9] : memref<10x256xf32, #tpu.memory_space<hbm>> -> memref<10x256xf32, #tpu.memory_space<hbm>>
      tpu.wait_indirect_dma semaphore(%arg8 : memref<!tpu.dma_semaphore, #tpu.memory_space<semaphore_mem>>) src(%dma_wait3A_10 : memref<10x256xf32, #tpu.memory_space<hbm>>) dst(%arg6 : memref<4x256xf32, #tpu.memory_space<vmem>>)
      %get3A = arith.constant 0 : i32
      %get3A_11 = arith.index_cast %get3A : i32 to index
      %get3A_12 = arith.constant 0 : index
      %get3A_13 = tpu.vector_load %arg6[%get3A_11, %get3A_12] {strides = array<i32>} : memref<4x256xf32, #tpu.memory_space<vmem>>, vector<1x16xf32>,
      %get3A_14 = vector.shape_cast %get3A_13 : vector<1x16xf32> to vector<16xf32>
      %get3A_15 = arith.constant 1 : i32
      %get3A_16 = arith.index_cast %get3A_15 : i32 to index
      %get3A_17 = arith.constant 0 : index
      %get3A_18 = tpu.vector_load %arg6[%get3A_16, %get3A_17] {strides = array<i32>} : memref<4x256xf32, #tpu.memory_space<vmem>>, vector<1x16xf32>,
      %get3A_19 = vector.shape_cast %get3A_18 : vector<1x16xf32> to vector<16xf32>
      %add3A_20 = arith.addf %get3A_14, %get3A_19 : vector<16xf32>
      %get3A_21 = arith.constant 2 : i32
      %get3A_22 = arith.index_cast %get3A_21 : i32 to index
      %get3A_23 = arith.constant 0 : index
      %get3A_24 = tpu.vector_load %arg6[%get3A_22, %get3A_23] {strides = array<i32>} : memref<4x256xf32, #tpu.memory_space<vmem>>, vector<1x16xf32>,
      %get3A_25 = vector.shape_cast %get3A_24 : vector<1x16xf32> to vector<16xf32>
      %add3A_26 = arith.addf %add3A_20, %get3A_25 : vector<16xf32>
      %get3A_27 = arith.constant 3 : i32
      %get3A_28 = arith.index_cast %get3A_27 : i32 to index
      %get3A_29 = arith.constant 0 : index
      %get3A_30 = tpu.vector_load %arg6[%get3A_28, %get3A_29] {strides = array<i32>} : memref<4x256xf32, #tpu.memory_space<vmem>>, vector<1x16xf32>,
      %get3A_31 = vector.shape_cast %get3A_30 : vector<1x16xf32> to vector<16xf32>
      %add3A_32 = arith.addf %add3A_26, %get3A_31 : vector<16xf32>
      %mul3A_33 = arith.constant 2.500000e-01 : f32
      %mul3A_34 = vector.broadcast %mul3A_33 : f32 to vector<16xf32>
      %mul3A_35 = arith.mulf %add3A_32, %mul3A_34 : vector<16xf32>
      %swap3A = arith.constant 0 : i32
      %swap3A_36 = arith.index_cast %swap3A : i32 to index
      %swap3A_37 = arith.constant 0 : index
      %swap3A_38 = tpu.vector_load %arg7[%swap3A_36, %swap3A_37] {strides = array<i32>} : memref<1x256xf32, #tpu.memory_space<vmem>>, vector<1x16xf32>,
      %swap3A_39 = vector.shape_cast %swap3A_38 : vector<1x16xf32> to vector<16xf32>
      %swap3A_40 = vector.shape_cast %mul3A_35 : vector<16xf32> to vector<1x16xf32>
      tpu.vector_store %arg7[%swap3A_36, %swap3A_37], %swap3A_40 {strides = array<i32>} : memref<1x256xf32, #tpu.memory_space<vmem>>, vector<1x16xf32>,
      %get3A_41 = arith.constant 0 : i32
      %get3A_42 = arith.index_cast %get3A_41 : i32 to index
      %get3A_43 = arith.constant 16 : index
      %get3A_44 = tpu.vector_load %arg6[%get3A_42, %get3A_43] {strides = array<i32>} : memref<4x256xf32, #tpu.memory_space<vmem>>, vector<1x16xf32>,
      %get3A_45 = vector.shape_cast %get3A_44 : vector<1x16xf32> to vector<16xf32>
      %get3A_46 = arith.constant 1 : i32
      %get3A_47 = arith.index_cast %get3A_46 : i32 to index
      %get3A_48 = arith.constant 16 : index
      %get3A_49 = tpu.vector_load %arg6[%get3A_47, %get3A_48] {strides = array<i32>} : memref<4x256xf32, #tpu.memory_space<vmem>>, vector<1x16xf32>,
      %get3A_50 = vector.shape_cast %get3A_49 : vector<1x16xf32> to vector<16xf32>
      %add3A_51 = arith.addf %get3A_45, %get3A_50 : vector<16xf32>
      %get3A_52 = arith.constant 2 : i32
      %get3A_53 = arith.index_cast %get3A_52 : i32 to index
      %get3A_54 = arith.constant 16 : index
      %get3A_55 = tpu.vector_load %arg6[%get3A_53, %get3A_54] {strides = array<i32>} : memref<4x256xf32, #tpu.memory_space<vmem>>, vector<1x16xf32>,
      %get3A_56 = vector.shape_cast %get3A_55 : vector<1x16xf32> to vector<16xf32>
      %add3A_57 = arith.addf %add3A_51, %get3A_56 : vector<16xf32>
      %get3A_58 = arith.constant 3 : i32
      %get3A_59 = arith.index_cast %get3A_58 : i32 to index
      %get3A_60 = arith.constant 16 : index
      %get3A_61 = tpu.vector_load %arg6[%get3A_59, %get3A_60] {strides = array<i32>} : memref<4x256xf32, #tpu.memory_space<vmem>>, vector<1x16xf32>,
      %get3A_62 = vector.shape_cast %get3A_61 : vector<1x16xf32> to vector<16xf32>
      %add3A_63 = arith.addf %add3A_57, %get3A_62 : vector<16xf32>
      %mul3A_64 = arith.constant 2.500000e-01 : f32
      %mul3A_65 = vector.broadcast %mul3A_64 : f32 to vector<16xf32>
      %mul3A_66 = arith.mulf %add3A_63, %mul3A_65 : vector<16xf32>
      %swap3A_67 = arith.constant 0 : i32
      %swap3A_68 = arith.index_cast %swap3A_67 : i32 to index
      %swap3A_69 = arith.constant 16 : index
      %swap3A_70 = tpu.vector_load %arg7[%swap3A_68, %swap3A_69] {strides = array<i32>} : memref<1x256xf32, #tpu.memory_space<vmem>>, vector<1x16xf32>,
      %swap3A_71 = vector.shape_cast %swap3A_70 : vector<1x16xf32> to vector<16xf32>
      %swap3A_72 = vector.shape_cast %mul3A_66 : vector<16xf32> to vector<1x16xf32>
      tpu.vector_store %arg7[%swap3A_68, %swap3A_69], %swap3A_72 {strides = array<i32>} : memref<1x256xf32, #tpu.memory_space<vmem>>, vector<1x16xf32>,
      %get3A_73 = arith.constant 0 : i32
      %get3A_74 = arith.index_cast %get3A_73 : i32 to index
      %get3A_75 = arith.constant 32 : index
      %get3A_76 = tpu.vector_load %arg6[%get3A_74, %get3A_75] {strides = array<i32>} : memref<4x256xf32, #tpu.memory_space<vmem>>, vector<1x16xf32>,
      %get3A_77 = vector.shape_cast %get3A_76 : vector<1x16xf32> to vector<16xf32>
      %get3A_78 = arith.constant 1 : i32
      %get3A_79 = arith.index_cast %get3A_78 : i32 to index
      %get3A_80 = arith.constant 32 : index
      %get3A_81 = tpu.vector_load %arg6[%get3A_79, %get3A_80] {strides = array<i32>} : memref<4x256xf32, #tpu.memory_space<vmem>>, vector<1x16xf32>,
      %get3A_82 = vector.shape_cast %get3A_81 : vector<1x16xf32> to vector<16xf32>
      %add3A_83 = arith.addf %get3A_77, %get3A_82 : vector<16xf32>
      %get3A_84 = arith.constant 2 : i32
      %get3A_85 = arith.index_cast %get3A_84 : i32 to index
      %get3A_86 = arith.constant 32 : index
      %get3A_87 = tpu.vector_load %arg6[%get3A_85, %get3A_86] {strides = array<i32>} : memref<4x256xf32, #tpu.memory_space<vmem>>, vector<1x16xf32>,
      %get3A_88 = vector.shape_cast %get3A_87 : vector<1x16xf32> to vector<16xf32>
      %add3A_89 = arith.addf %add3A_83, %get3A_88 : vector<16xf32>
      %get3A_90 = arith.constant 3 : i32
      %get3A_91 = arith.index_cast %get3A_90 : i32 to index
      %get3A_92 = arith.constant 32 : index
      %get3A_93 = tpu.vector_load %arg6[%get3A_91, %get3A_92] {strides = array<i32>} : memref<4x256xf32, #tpu.memory_space<vmem>>, vector<1x16xf32>,
      %get3A_94 = vector.shape_cast %get3A_93 : vector<1x16xf32> to vector<16xf32>
      %add3A_95 = arith.addf %add3A_89, %get3A_94 : vector<16xf32>
      %mul3A_96 = arith.constant 2.500000e-01 : f32
      %mul3A_97 = vector.broadcast %mul3A_96 : f32 to vector<16xf32>
      %mul3A_98 = arith.mulf %add3A_95, %mul3A_97 : vector<16xf32>
      %swap3A_99 = arith.constant 0 : i32
      %swap3A_100 = arith.index_cast %swap3A_99 : i32 to index
      %swap3A_101 = arith.constant 32 : index
      %swap3A_102 = tpu.vector_load %arg7[%swap3A_100, %swap3A_101] {strides = array<i32>} : memref<1x256xf32, #tpu.memory_space<vmem>>, vector<1x16xf32>,
      %swap3A_103 = vector.shape_cast %swap3A_102 : vector<1x16xf32> to vector<16xf32>
      %swap3A_104 = vector.shape_cast %mul3A_98 : vector<16xf32> to vector<1x16xf32>
      tpu.vector_store %arg7[%swap3A_100, %swap3A_101], %swap3A_104 {strides = array<i32>} : memref<1x256xf32, #tpu.memory_space<vmem>>, vector<1x16xf32>,
      %get3A_105 = arith.constant 0 : i32
      %get3A_106 = arith.index_cast %get3A_105 : i32 to index
      %get3A_107 = arith.constant 48 : index
      %get3A_108 = tpu.vector_load %arg6[%get3A_106, %get3A_107] {strides = array<i32>} : memref<4x256xf32, #tpu.memory_space<vmem>>, vector<1x16xf32>,
      %get3A_109 = vector.shape_cast %get3A_108 : vector<1x16xf32> to vector<16xf32>
      %get3A_110 = arith.constant 1 : i32
      %get3A_111 = arith.index_cast %get3A_110 : i32 to index
      %get3A_112 = arith.constant 48 : index
      %get3A_113 = tpu.vector_load %arg6[%get3A_111, %get3A_112] {strides = array<i32>} : memref<4x256xf32, #tpu.memory_space<vmem>>, vector<1x16xf32>,
      %get3A_114 = vector.shape_cast %get3A_113 : vector<1x16xf32> to vector<16xf32>
      %add3A_115 = arith.addf %get3A_109, %get3A_114 : vector<16xf32>
      %get3A_116 = arith.constant 2 : i32
      %get3A_117 = arith.index_cast %get3A_116 : i32 to index
      %get3A_118 = arith.constant 48 : index
      %get3A_119 = tpu.vector_load %arg6[%get3A_117, %get3A_118] {strides = array<i32>} : memref<4x256xf32, #tpu.memory_space<vmem>>, vector<1x16xf32>,
      %get3A_120 = vector.shape_cast %get3A_119 : vector<1x16xf32> to vector<16xf32>
      %add3A_121 = arith.addf %add3A_115, %get3A_120 : vector<16xf32>
      %get3A_122 = arith.constant 3 : i32
      %get3A_123 = arith.index_cast %get3A_122 : i32 to index
      %get3A_124 = arith.constant 48 : index
      %get3A_125 = tpu.vector_load %arg6[%get3A_123, %get3A_124] {strides = array<i32>} : memref<4x256xf32, #tpu.memory_space<vmem>>, vector<1x16xf32>,
      %get3A_126 = vector.shape_cast %get3A_125 : vector<1x16xf32> to vector<16xf32>
      %add3A_127 = arith.addf %add3A_121, %get3A_126 : vector<16xf32>
      %mul3A_128 = arith.constant 2.500000e-01 : f32
      %mul3A_129 = vector.broadcast %mul3A_128 : f32 to vector<16xf32>
      %mul3A_130 = arith.mulf %add3A_127, %mul3A_129 : vector<16xf32>
      %swap3A_131 = arith.constant 0 : i32
      %swap3A_132 = arith.index_cast %swap3A_131 : i32 to index
      %swap3A_133 = arith.constant 48 : index
      %swap3A_134 = tpu.vector_load %arg7[%swap3A_132, %swap3A_133] {strides = array<i32>} : memref<1x256xf32, #tpu.memory_space<vmem>>, vector<1x16xf32>,
      %swap3A_135 = vector.shape_cast %swap3A_134 : vector<1x16xf32> to vector<16xf32>
      %swap3A_136 = vector.shape_cast %mul3A_130 : vector<16xf32> to vector<1x16xf32>
      tpu.vector_store %arg7[%swap3A_132, %swap3A_133], %swap3A_136 {strides = array<i32>} : memref<1x256xf32, #tpu.memory_space<vmem>>, vector<1x16xf32>,
      %get3A_137 = arith.constant 0 : i32
      %get3A_138 = arith.index_cast %get3A_137 : i32 to index
      %get3A_139 = arith.constant 64 : index
      %get3A_140 = tpu.vector_load %arg6[%get3A_138, %get3A_139] {strides = array<i32>} : memref<4x256xf32, #tpu.memory_space<vmem>>, vector<1x16xf32>,
      %get3A_141 = vector.shape_cast %get3A_140 : vector<1x16xf32> to vector<16xf32>
      %get3A_142 = arith.constant 1 : i32
      %get3A_143 = arith.index_cast %get3A_142 : i32 to index
      %get3A_144 = arith.constant 64 : index
      %get3A_145 = tpu.vector_load %arg6[%get3A_143, %get3A_144] {strides = array<i32>} : memref<4x256xf32, #tpu.memory_space<vmem>>, vector<1x16xf32>,
      %get3A_146 = vector.shape_cast %get3A_145 : vector<1x16xf32> to vector<16xf32>
      %add3A_147 = arith.addf %get3A_141, %get3A_146 : vector<16xf32>
      %get3A_148 = arith.constant 2 : i32
      %get3A_149 = arith.index_cast %get3A_148 : i32 to index
      %get3A_150 = arith.constant 64 : index
      %get3A_151 = tpu.vector_load %arg6[%get3A_149, %get3A_150] {strides = array<i32>} : memref<4x256xf32, #tpu.memory_space<vmem>>, vector<1x16xf32>,
      %get3A_152 = vector.shape_cast %get3A_151 : vector<1x16xf32> to vector<16xf32>
      %add3A_153 = arith.addf %add3A_147, %get3A_152 : vector<16xf32>
      %get3A_154 = arith.constant 3 : i32
      %get3A_155 = arith.index_cast %get3A_154 : i32 to index
      %get3A_156 = arith.constant 64 : index
      %get3A_157 = tpu.vector_load %arg6[%get3A_155, %get3A_156] {strides = array<i32>} : memref<4x256xf32, #tpu.memory_space<vmem>>, vector<1x16xf32>,
      %get3A_158 = vector.shape_cast %get3A_157 : vector<1x16xf32> to vector<16xf32>
      %add3A_159 = arith.addf %add3A_153, %get3A_158 : vector<16xf32>
      %mul3A_160 = arith.constant 2.500000e-01 : f32
      %mul3A_161 = vector.broadcast %mul3A_160 : f32 to vector<16xf32>
      %mul3A_162 = arith.mulf %add3A_159, %mul3A_161 : vector<16xf32>
      %swap3A_163 = arith.constant 0 : i32
      %swap3A_164 = arith.index_cast %swap3A_163 : i32 to index
      %swap3A_165 = arith.constant 64 : index
      %swap3A_166 = tpu.vector_load %arg7[%swap3A_164, %swap3A_165] {strides = array<i32>} : memref<1x256xf32, #tpu.memory_space<vmem>>, vector<1x16xf32>,
      %swap3A_167 = vector.shape_cast %swap3A_166 : vector<1x16xf32> to vector<16xf32>
      %swap3A_168 = vector.shape_cast %mul3A_162 : vector<16xf32> to vector<1x16xf32>
      tpu.vector_store %arg7[%swap3A_164, %swap3A_165], %swap3A_168 {strides = array<i32>} : memref<1x256xf32, #tpu.memory_space<vmem>>, vector<1x16xf32>,
      %get3A_169 = arith.constant 0 : i32
      %get3A_170 = arith.index_cast %get3A_169 : i32 to index
      %get3A_171 = arith.constant 80 : index
      %get3A_172 = tpu.vector_load %arg6[%get3A_170, %get3A_171] {strides = array<i32>} : memref<4x256xf32, #tpu.memory_space<vmem>>, vector<1x16xf32>,
      %get3A_173 = vector.shape_cast %get3A_172 : vector<1x16xf32> to vector<16xf32>
      %get3A_174 = arith.constant 1 : i32
      %get3A_175 = arith.index_cast %get3A_174 : i32 to index
      %get3A_176 = arith.constant 80 : index
      %get3A_177 = tpu.vector_load %arg6[%get3A_175, %get3A_176] {strides = array<i32>} : memref<4x256xf32, #tpu.memory_space<vmem>>, vector<1x16xf32>,
      %get3A_178 = vector.shape_cast %get3A_177 : vector<1x16xf32> to vector<16xf32>
      %add3A_179 = arith.addf %get3A_173, %get3A_178 : vector<16xf32>
      %get3A_180 = arith.constant 2 : i32
      %get3A_181 = arith.index_cast %get3A_180 : i32 to index
      %get3A_182 = arith.constant 80 : index
      %get3A_183 = tpu.vector_load %arg6[%get3A_181, %get3A_182] {strides = array<i32>} : memref<4x256xf32, #tpu.memory_space<vmem>>, vector<1x16xf32>,
      %get3A_184 = vector.shape_cast %get3A_183 : vector<1x16xf32> to vector<16xf32>
      %add3A_185 = arith.addf %add3A_179, %get3A_184 : vector<16xf32>
      %get3A_186 = arith.constant 3 : i32
      %get3A_187 = arith.index_cast %get3A_186 : i32 to index
      %get3A_188 = arith.constant 80 : index
      %get3A_189 = tpu.vector_load %arg6[%get3A_187, %get3A_188] {strides = array<i32>} : memref<4x256xf32, #tpu.memory_space<vmem>>, vector<1x16xf32>,
      %get3A_190 = vector.shape_cast %get3A_189 : vector<1x16xf32> to vector<16xf32>
      %add3A_191 = arith.addf %add3A_185, %get3A_190 : vector<16xf32>
      %mul3A_192 = arith.constant 2.500000e-01 : f32
      %mul3A_193 = vector.broadcast %mul3A_192 : f32 to vector<16xf32>
      %mul3A_194 = arith.mulf %add3A_191, %mul3A_193 : vector<16xf32>
      %swap3A_195 = arith.constant 0 : i32
      %swap3A_196 = arith.index_cast %swap3A_195 : i32 to index
      %swap3A_197 = arith.constant 80 : index
      %swap3A_198 = tpu.vector_load %arg7[%swap3A_196, %swap3A_197] {strides = array<i32>} : memref<1x256xf32, #tpu.memory_space<vmem>>, vector<1x16xf32>,
      %swap3A_199 = vector.shape_cast %swap3A_198 : vector<1x16xf32> to vector<16xf32>
      %swap3A_200 = vector.shape_cast %mul3A_194 : vector<16xf32> to vector<1x16xf32>
      tpu.vector_store %arg7[%swap3A_196, %swap3A_197], %swap3A_200 {strides = array<i32>} : memref<1x256xf32, #tpu.memory_space<vmem>>, vector<1x16xf32>,
      %get3A_201 = arith.constant 0 : i32
      %get3A_202 = arith.index_cast %get3A_201 : i32 to index
      %get3A_203 = arith.constant 96 : index
      %get3A_204 = tpu.vector_load %arg6[%get3A_202, %get3A_203] {strides = array<i32>} : memref<4x256xf32, #tpu.memory_space<vmem>>, vector<1x16xf32>,
      %get3A_205 = vector.shape_cast %get3A_204 : vector<1x16xf32> to vector<16xf32>
      %get3A_206 = arith.constant 1 : i32
      %get3A_207 = arith.index_cast %get3A_206 : i32 to index
      %get3A_208 = arith.constant 96 : index
      %get3A_209 = tpu.vector_load %arg6[%get3A_207, %get3A_208] {strides = array<i32>} : memref<4x256xf32, #tpu.memory_space<vmem>>, vector<1x16xf32>,
      %get3A_210 = vector.shape_cast %get3A_209 : vector<1x16xf32> to vector<16xf32>
      %add3A_211 = arith.addf %get3A_205, %get3A_210 : vector<16xf32>
      %get3A_212 = arith.constant 2 : i32
      %get3A_213 = arith.index_cast %get3A_212 : i32 to index
      %get3A_214 = arith.constant 96 : index
      %get3A_215 = tpu.vector_load %arg6[%get3A_213, %get3A_214] {strides = array<i32>} : memref<4x256xf32, #tpu.memory_space<vmem>>, vector<1x16xf32>,
      %get3A_216 = vector.shape_cast %get3A_215 : vector<1x16xf32> to vector<16xf32>
      %add3A_217 = arith.addf %add3A_211, %get3A_216 : vector<16xf32>
      %get3A_218 = arith.constant 3 : i32
      %get3A_219 = arith.index_cast %get3A_218 : i32 to index
      %get3A_220 = arith.constant 96 : index
      %get3A_221 = tpu.vector_load %arg6[%get3A_219, %get3A_220] {strides = array<i32>} : memref<4x256xf32, #tpu.memory_space<vmem>>, vector<1x16xf32>,
      %get3A_222 = vector.shape_cast %get3A_221 : vector<1x16xf32> to vector<16xf32>
      %add3A_223 = arith.addf %add3A_217, %get3A_222 : vector<16xf32>
      %mul3A_224 = arith.constant 2.500000e-01 : f32
      %mul3A_225 = vector.broadcast %mul3A_224 : f32 to vector<16xf32>
      %mul3A_226 = arith.mulf %add3A_223, %mul3A_225 : vector<16xf32>
      %swap3A_227 = arith.constant 0 : i32
      %swap3A_228 = arith.index_cast %swap3A_227 : i32 to index
      %swap3A_229 = arith.constant 96 : index
      %swap3A_230 = tpu.vector_load %arg7[%swap3A_228, %swap3A_229] {strides = array<i32>} : memref<1x256xf32, #tpu.memory_space<vmem>>, vector<1x16xf32>,
      %swap3A_231 = vector.shape_cast %swap3A_230 : vector<1x16xf32> to vector<16xf32>
      %swap3A_232 = vector.shape_cast %mul3A_226 : vector<16xf32> to vector<1x16xf32>
      tpu.vector_store %arg7[%swap3A_228, %swap3A_229], %swap3A_232 {strides = array<i32>} : memref<1x256xf32, #tpu.memory_space<vmem>>, vector<1x16xf32>,
      %get3A_233 = arith.constant 0 : i32
      %get3A_234 = arith.index_cast %get3A_233 : i32 to index
      %get3A_235 = arith.constant 112 : index
      %get3A_236 = tpu.vector_load %arg6[%get3A_234, %get3A_235] {strides = array<i32>} : memref<4x256xf32, #tpu.memory_space<vmem>>, vector<1x16xf32>,
      %get3A_237 = vector.shape_cast %get3A_236 : vector<1x16xf32> to vector<16xf32>
      %get3A_238 = arith.constant 1 : i32
      %get3A_239 = arith.index_cast %get3A_238 : i32 to index
      %get3A_240 = arith.constant 112 : index
      %get3A_241 = tpu.vector_load %arg6[%get3A_239, %get3A_240] {strides = array<i32>} : memref<4x256xf32, #tpu.memory_space<vmem>>, vector<1x16xf32>,
      %get3A_242 = vector.shape_cast %get3A_241 : vector<1x16xf32> to vector<16xf32>
      %add3A_243 = arith.addf %get3A_237, %get3A_242 : vector<16xf32>
      %get3A_244 = arith.constant 2 : i32
      %get3A_245 = arith.index_cast %get3A_244 : i32 to index
      %get3A_246 = arith.constant 112 : index
      %get3A_247 = tpu.vector_load %arg6[%get3A_245, %get3A_246] {strides = array<i32>} : memref<4x256xf32, #tpu.memory_space<vmem>>, vector<1x16xf32>,
      %get3A_248 = vector.shape_cast %get3A_247 : vector<1x16xf32> to vector<16xf32>
      %add3A_249 = arith.addf %add3A_243, %get3A_248 : vector<16xf32>
      %get3A_250 = arith.constant 3 : i32
      %get3A_251 = arith.index_cast %get3A_250 : i32 to index
      %get3A_252 = arith.constant 112 : index
      %get3A_253 = tpu.vector_load %arg6[%get3A_251, %get3A_252] {strides = array<i32>} : memref<4x256xf32, #tpu.memory_space<vmem>>, vector<1x16xf32>,
      %get3A_254 = vector.shape_cast %get3A_253 : vector<1x16xf32> to vector<16xf32>
      %add3A_255 = arith.addf %add3A_249, %get3A_254 : vector<16xf32>
      %mul3A_256 = arith.constant 2.500000e-01 : f32
      %mul3A_257 = vector.broadcast %mul3A_256 : f32 to vector<16xf32>
      %mul3A_258 = arith.mulf %add3A_255, %mul3A_257 : vector<16xf32>
      %swap3A_259 = arith.constant 0 : i32
      %swap3A_260 = arith.index_cast %swap3A_259 : i32 to index
      %swap3A_261 = arith.constant 112 : index
      %swap3A_262 = tpu.vector_load %arg7[%swap3A_260, %swap3A_261] {strides = array<i32>} : memref<1x256xf32, #tpu.memory_space<vmem>>, vector<1x16xf32>,
      %swap3A_263 = vector.shape_cast %swap3A_262 : vector<1x16xf32> to vector<16xf32>
      %swap3A_264 = vector.shape_cast %mul3A_258 : vector<16xf32> to vector<1x16xf32>
      tpu.vector_store %arg7[%swap3A_260, %swap3A_261], %swap3A_264 {strides = array<i32>} : memref<1x256xf32, #tpu.memory_space<vmem>>, vector<1x16xf32>,
      %get3A_265 = arith.constant 0 : i32
      %get3A_266 = arith.index_cast %get3A_265 : i32 to index
      %get3A_267 = arith.constant 128 : index
      %get3A_268 = tpu.vector_load %arg6[%get3A_266, %get3A_267] {strides = array<i32>} : memref<4x256xf32, #tpu.memory_space<vmem>>, vector<1x16xf32>,
      %get3A_269 = vector.shape_cast %get3A_268 : vector<1x16xf32> to vector<16xf32>
      %get3A_270 = arith.constant 1 : i32
      %get3A_271 = arith.index_cast %get3A_270 : i32 to index
      %get3A_272 = arith.constant 128 : index
      %get3A_273 = tpu.vector_load %arg6[%get3A_271, %get3A_272] {strides = array<i32>} : memref<4x256xf32, #tpu.memory_space<vmem>>, vector<1x16xf32>,
      %get3A_274 = vector.shape_cast %get3A_273 : vector<1x16xf32> to vector<16xf32>
      %add3A_275 = arith.addf %get3A_269, %get3A_274 : vector<16xf32>
      %get3A_276 = arith.constant 2 : i32
      %get3A_277 = arith.index_cast %get3A_276 : i32 to index
      %get3A_278 = arith.constant 128 : index
      %get3A_279 = tpu.vector_load %arg6[%get3A_277, %get3A_278] {strides = array<i32>} : memref<4x256xf32, #tpu.memory_space<vmem>>, vector<1x16xf32>,
      %get3A_280 = vector.shape_cast %get3A_279 : vector<1x16xf32> to vector<16xf32>
      %add3A_281 = arith.addf %add3A_275, %get3A_280 : vector<16xf32>
      %get3A_282 = arith.constant 3 : i32
      %get3A_283 = arith.index_cast %get3A_282 : i32 to index
      %get3A_284 = arith.constant 128 : index
      %get3A_285 = tpu.vector_load %arg6[%get3A_283, %get3A_284] {strides = array<i32>} : memref<4x256xf32, #tpu.memory_space<vmem>>, vector<1x16xf32>,
      %get3A_286 = vector.shape_cast %get3A_285 : vector<1x16xf32> to vector<16xf32>
      %add3A_287 = arith.addf %add3A_281, %get3A_286 : vector<16xf32>
      %mul3A_288 = arith.constant 2.500000e-01 : f32
      %mul3A_289 = vector.broadcast %mul3A_288 : f32 to vector<16xf32>
      %mul3A_290 = arith.mulf %add3A_287, %mul3A_289 : vector<16xf32>
      %swap3A_291 = arith.constant 0 : i32
      %swap3A_292 = arith.index_cast %swap3A_291 : i32 to index
      %swap3A_293 = arith.constant 128 : index
      %swap3A_294 = tpu.vector_load %arg7[%swap3A_292, %swap3A_293] {strides = array<i32>} : memref<1x256xf32, #tpu.memory_space<vmem>>, vector<1x16xf32>,
      %swap3A_295 = vector.shape_cast %swap3A_294 : vector<1x16xf32> to vector<16xf32>
      %swap3A_296 = vector.shape_cast %mul3A_290 : vector<16xf32> to vector<1x16xf32>
      tpu.vector_store %arg7[%swap3A_292, %swap3A_293], %swap3A_296 {strides = array<i32>} : memref<1x256xf32, #tpu.memory_space<vmem>>, vector<1x16xf32>,
      %get3A_297 = arith.constant 0 : i32
      %get3A_298 = arith.index_cast %get3A_297 : i32 to index
      %get3A_299 = arith.constant 144 : index
      %get3A_300 = tpu.vector_load %arg6[%get3A_298, %get3A_299] {strides = array<i32>} : memref<4x256xf32, #tpu.memory_space<vmem>>, vector<1x16xf32>,
      %get3A_301 = vector.shape_cast %get3A_300 : vector<1x16xf32> to vector<16xf32>
      %get3A_302 = arith.constant 1 : i32
      %get3A_303 = arith.index_cast %get3A_302 : i32 to index
      %get3A_304 = arith.constant 144 : index
      %get3A_305 = tpu.vector_load %arg6[%get3A_303, %get3A_304] {strides = array<i32>} : memref<4x256xf32, #tpu.memory_space<vmem>>, vector<1x16xf32>,
      %get3A_306 = vector.shape_cast %get3A_305 : vector<1x16xf32> to vector<16xf32>
      %add3A_307 = arith.addf %get3A_301, %get3A_306 : vector<16xf32>
      %get3A_308 = arith.constant 2 : i32
      %get3A_309 = arith.index_cast %get3A_308 : i32 to index
      %get3A_310 = arith.constant 144 : index
      %get3A_311 = tpu.vector_load %arg6[%get3A_309, %get3A_310] {strides = array<i32>} : memref<4x256xf32, #tpu.memory_space<vmem>>, vector<1x16xf32>,
      %get3A_312 = vector.shape_cast %get3A_311 : vector<1x16xf32> to vector<16xf32>
      %add3A_313 = arith.addf %add3A_307, %get3A_312 : vector<16xf32>
      %get3A_314 = arith.constant 3 : i32
      %get3A_315 = arith.index_cast %get3A_314 : i32 to index
      %get3A_316 = arith.constant 144 : index
      %get3A_317 = tpu.vector_load %arg6[%get3A_315, %get3A_316] {strides = array<i32>} : memref<4x256xf32, #tpu.memory_space<vmem>>, vector<1x16xf32>,
      %get3A_318 = vector.shape_cast %get3A_317 : vector<1x16xf32> to vector<16xf32>
      %add3A_319 = arith.addf %add3A_313, %get3A_318 : vector<16xf32>
      %mul3A_320 = arith.constant 2.500000e-01 : f32
      %mul3A_321 = vector.broadcast %mul3A_320 : f32 to vector<16xf32>
      %mul3A_322 = arith.mulf %add3A_319, %mul3A_321 : vector<16xf32>
      %swap3A_323 = arith.constant 0 : i32
      %swap3A_324 = arith.index_cast %swap3A_323 : i32 to index
      %swap3A_325 = arith.constant 144 : index
      %swap3A_326 = tpu.vector_load %arg7[%swap3A_324, %swap3A_325] {strides = array<i32>} : memref<1x256xf32, #tpu.memory_space<vmem>>, vector<1x16xf32>,
      %swap3A_327 = vector.shape_cast %swap3A_326 : vector<1x16xf32> to vector<16xf32>
      %swap3A_328 = vector.shape_cast %mul3A_322 : vector<16xf32> to vector<1x16xf32>
      tpu.vector_store %arg7[%swap3A_324, %swap3A_325], %swap3A_328 {strides = array<i32>} : memref<1x256xf32, #tpu.memory_space<vmem>>, vector<1x16xf32>,
      %get3A_329 = arith.constant 0 : i32
      %get3A_330 = arith.index_cast %get3A_329 : i32 to index
      %get3A_331 = arith.constant 160 : index
      %get3A_332 = tpu.vector_load %arg6[%get3A_330, %get3A_331] {strides = array<i32>} : memref<4x256xf32, #tpu.memory_space<vmem>>, vector<1x16xf32>,
      %get3A_333 = vector.shape_cast %get3A_332 : vector<1x16xf32> to vector<16xf32>
      %get3A_334 = arith.constant 1 : i32
      %get3A_335 = arith.index_cast %get3A_334 : i32 to index
      %get3A_336 = arith.constant 160 : index
      %get3A_337 = tpu.vector_load %arg6[%get3A_335, %get3A_336] {strides = array<i32>} : memref<4x256xf32, #tpu.memory_space<vmem>>, vector<1x16xf32>,
      %get3A_338 = vector.shape_cast %get3A_337 : vector<1x16xf32> to vector<16xf32>
      %add3A_339 = arith.addf %get3A_333, %get3A_338 : vector<16xf32>
      %get3A_340 = arith.constant 2 : i32
      %get3A_341 = arith.index_cast %get3A_340 : i32 to index
      %get3A_342 = arith.constant 160 : index
      %get3A_343 = tpu.vector_load %arg6[%get3A_341, %get3A_342] {strides = array<i32>} : memref<4x256xf32, #tpu.memory_space<vmem>>, vector<1x16xf32>,
      %get3A_344 = vector.shape_cast %get3A_343 : vector<1x16xf32> to vector<16xf32>
      %add3A_345 = arith.addf %add3A_339, %get3A_344 : vector<16xf32>
      %get3A_346 = arith.constant 3 : i32
      %get3A_347 = arith.index_cast %get3A_346 : i32 to index
      %get3A_348 = arith.constant 160 : index
      %get3A_349 = tpu.vector_load %arg6[%get3A_347, %get3A_348] {strides = array<i32>} : memref<4x256xf32, #tpu.memory_space<vmem>>, vector<1x16xf32>,
      %get3A_350 = vector.shape_cast %get3A_349 : vector<1x16xf32> to vector<16xf32>
      %add3A_351 = arith.addf %add3A_345, %get3A_350 : vector<16xf32>
      %mul3A_352 = arith.constant 2.500000e-01 : f32
      %mul3A_353 = vector.broadcast %mul3A_352 : f32 to vector<16xf32>
      %mul3A_354 = arith.mulf %add3A_351, %mul3A_353 : vector<16xf32>
      %swap3A_355 = arith.constant 0 : i32
      %swap3A_356 = arith.index_cast %swap3A_355 : i32 to index
      %swap3A_357 = arith.constant 160 : index
      %swap3A_358 = tpu.vector_load %arg7[%swap3A_356, %swap3A_357] {strides = array<i32>} : memref<1x256xf32, #tpu.memory_space<vmem>>, vector<1x16xf32>,
      %swap3A_359 = vector.shape_cast %swap3A_358 : vector<1x16xf32> to vector<16xf32>
      %swap3A_360 = vector.shape_cast %mul3A_354 : vector<16xf32> to vector<1x16xf32>
      tpu.vector_store %arg7[%swap3A_356, %swap3A_357], %swap3A_360 {strides = array<i32>} : memref<1x256xf32, #tpu.memory_space<vmem>>, vector<1x16xf32>,
      %get3A_361 = arith.constant 0 : i32
      %get3A_362 = arith.index_cast %get3A_361 : i32 to index
      %get3A_363 = arith.constant 176 : index
      %get3A_364 = tpu.vector_load %arg6[%get3A_362, %get3A_363] {strides = array<i32>} : memref<4x256xf32, #tpu.memory_space<vmem>>, vector<1x16xf32>,
      %get3A_365 = vector.shape_cast %get3A_364 : vector<1x16xf32> to vector<16xf32>
      %get3A_366 = arith.constant 1 : i32
      %get3A_367 = arith.index_cast %get3A_366 : i32 to index
      %get3A_368 = arith.constant 176 : index
      %get3A_369 = tpu.vector_load %arg6[%get3A_367, %get3A_368] {strides = array<i32>} : memref<4x256xf32, #tpu.memory_space<vmem>>, vector<1x16xf32>,
      %get3A_370 = vector.shape_cast %get3A_369 : vector<1x16xf32> to vector<16xf32>
      %add3A_371 = arith.addf %get3A_365, %get3A_370 : vector<16xf32>
      %get3A_372 = arith.constant 2 : i32
      %get3A_373 = arith.index_cast %get3A_372 : i32 to index
      %get3A_374 = arith.constant 176 : index
      %get3A_375 = tpu.vector_load %arg6[%get3A_373, %get3A_374] {strides = array<i32>} : memref<4x256xf32, #tpu.memory_space<vmem>>, vector<1x16xf32>,
      %get3A_376 = vector.shape_cast %get3A_375 : vector<1x16xf32> to vector<16xf32>
      %add3A_377 = arith.addf %add3A_371, %get3A_376 : vector<16xf32>
      %get3A_378 = arith.constant 3 : i32
      %get3A_379 = arith.index_cast %get3A_378 : i32 to index
      %get3A_380 = arith.constant 176 : index
      %get3A_381 = tpu.vector_load %arg6[%get3A_379, %get3A_380] {strides = array<i32>} : memref<4x256xf32, #tpu.memory_space<vmem>>, vector<1x16xf32>,
      %get3A_382 = vector.shape_cast %get3A_381 : vector<1x16xf32> to vector<16xf32>
      %add3A_383 = arith.addf %add3A_377, %get3A_382 : vector<16xf32>
      %mul3A_384 = arith.constant 2.500000e-01 : f32
      %mul3A_385 = vector.broadcast %mul3A_384 : f32 to vector<16xf32>
      %mul3A_386 = arith.mulf %add3A_383, %mul3A_385 : vector<16xf32>
      %swap3A_387 = arith.constant 0 : i32
      %swap3A_388 = arith.index_cast %swap3A_387 : i32 to index
      %swap3A_389 = arith.constant 176 : index
      %swap3A_390 = tpu.vector_load %arg7[%swap3A_388, %swap3A_389] {strides = array<i32>} : memref<1x256xf32, #tpu.memory_space<vmem>>, vector<1x16xf32>,
      %swap3A_391 = vector.shape_cast %swap3A_390 : vector<1x16xf32> to vector<16xf32>
      %swap3A_392 = vector.shape_cast %mul3A_386 : vector<16xf32> to vector<1x16xf32>
      tpu.vector_store %arg7[%swap3A_388, %swap3A_389], %swap3A_392 {strides = array<i32>} : memref<1x256xf32, #tpu.memory_space<vmem>>, vector<1x16xf32>,
      %get3A_393 = arith.constant 0 : i32
      %get3A_394 = arith.index_cast %get3A_393 : i32 to index
      %get3A_395 = arith.constant 192 : index
      %get3A_396 = tpu.vector_load %arg6[%get3A_394, %get3A_395] {strides = array<i32>} : memref<4x256xf32, #tpu.memory_space<vmem>>, vector<1x16xf32>,
      %get3A_397 = vector.shape_cast %get3A_396 : vector<1x16xf32> to vector<16xf32>
      %get3A_398 = arith.constant 1 : i32
      %get3A_399 = arith.index_cast %get3A_398 : i32 to index
      %get3A_400 = arith.constant 192 : index
      %get3A_401 = tpu.vector_load %arg6[%get3A_399, %get3A_400] {strides = array<i32>} : memref<4x256xf32, #tpu.memory_space<vmem>>, vector<1x16xf32>,
      %get3A_402 = vector.shape_cast %get3A_401 : vector<1x16xf32> to vector<16xf32>
      %add3A_403 = arith.addf %get3A_397, %get3A_402 : vector<16xf32>
      %get3A_404 = arith.constant 2 : i32
      %get3A_405 = arith.index_cast %get3A_404 : i32 to index
      %get3A_406 = arith.constant 192 : index
      %get3A_407 = tpu.vector_load %arg6[%get3A_405, %get3A_406] {strides = array<i32>} : memref<4x256xf32, #tpu.memory_space<vmem>>, vector<1x16xf32>,
      %get3A_408 = vector.shape_cast %get3A_407 : vector<1x16xf32> to vector<16xf32>
      %add3A_409 = arith.addf %add3A_403, %get3A_408 : vector<16xf32>
      %get3A_410 = arith.constant 3 : i32
      %get3A_411 = arith.index_cast %get3A_410 : i32 to index
      %get3A_412 = arith.constant 192 : index
      %get3A_413 = tpu.vector_load %arg6[%get3A_411, %get3A_412] {strides = array<i32>} : memref<4x256xf32, #tpu.memory_space<vmem>>, vector<1x16xf32>,
      %get3A_414 = vector.shape_cast %get3A_413 : vector<1x16xf32> to vector<16xf32>
      %add3A_415 = arith.addf %add3A_409, %get3A_414 : vector<16xf32>
      %mul3A_416 = arith.constant 2.500000e-01 : f32
      %mul3A_417 = vector.broadcast %mul3A_416 : f32 to vector<16xf32>
      %mul3A_418 = arith.mulf %add3A_415, %mul3A_417 : vector<16xf32>
      %swap3A_419 = arith.constant 0 : i32
      %swap3A_420 = arith.index_cast %swap3A_419 : i32 to index
      %swap3A_421 = arith.constant 192 : index
      %swap3A_422 = tpu.vector_load %arg7[%swap3A_420, %swap3A_421] {strides = array<i32>} : memref<1x256xf32, #tpu.memory_space<vmem>>, vector<1x16xf32>,
      %swap3A_423 = vector.shape_cast %swap3A_422 : vector<1x16xf32> to vector<16xf32>
      %swap3A_424 = vector.shape_cast %mul3A_418 : vector<16xf32> to vector<1x16xf32>
      tpu.vector_store %arg7[%swap3A_420, %swap3A_421], %swap3A_424 {strides = array<i32>} : memref<1x256xf32, #tpu.memory_space<vmem>>, vector<1x16xf32>,
      %get3A_425 = arith.constant 0 : i32
      %get3A_426 = arith.index_cast %get3A_425 : i32 to index
      %get3A_427 = arith.constant 208 : index
      %get3A_428 = tpu.vector_load %arg6[%get3A_426, %get3A_427] {strides = array<i32>} : memref<4x256xf32, #tpu.memory_space<vmem>>, vector<1x16xf32>,
      %get3A_429 = vector.shape_cast %get3A_428 : vector<1x16xf32> to vector<16xf32>
      %get3A_430 = arith.constant 1 : i32
      %get3A_431 = arith.index_cast %get3A_430 : i32 to index
      %get3A_432 = arith.constant 208 : index
      %get3A_433 = tpu.vector_load %arg6[%get3A_431, %get3A_432] {strides = array<i32>} : memref<4x256xf32, #tpu.memory_space<vmem>>, vector<1x16xf32>,
      %get3A_434 = vector.shape_cast %get3A_433 : vector<1x16xf32> to vector<16xf32>
      %add3A_435 = arith.addf %get3A_429, %get3A_434 : vector<16xf32>
      %get3A_436 = arith.constant 2 : i32
      %get3A_437 = arith.index_cast %get3A_436 : i32 to index
      %get3A_438 = arith.constant 208 : index
      %get3A_439 = tpu.vector_load %arg6[%get3A_437, %get3A_438] {strides = array<i32>} : memref<4x256xf32, #tpu.memory_space<vmem>>, vector<1x16xf32>,
      %get3A_440 = vector.shape_cast %get3A_439 : vector<1x16xf32> to vector<16xf32>
      %add3A_441 = arith.addf %add3A_435, %get3A_440 : vector<16xf32>
      %get3A_442 = arith.constant 3 : i32
      %get3A_443 = arith.index_cast %get3A_442 : i32 to index
      %get3A_444 = arith.constant 208 : index
      %get3A_445 = tpu.vector_load %arg6[%get3A_443, %get3A_444] {strides = array<i32>} : memref<4x256xf32, #tpu.memory_space<vmem>>, vector<1x16xf32>,
      %get3A_446 = vector.shape_cast %get3A_445 : vector<1x16xf32> to vector<16xf32>
      %add3A_447 = arith.addf %add3A_441, %get3A_446 : vector<16xf32>
      %mul3A_448 = arith.constant 2.500000e-01 : f32
      %mul3A_449 = vector.broadcast %mul3A_448 : f32 to vector<16xf32>
      %mul3A_450 = arith.mulf %add3A_447, %mul3A_449 : vector<16xf32>
      %swap3A_451 = arith.constant 0 : i32
      %swap3A_452 = arith.index_cast %swap3A_451 : i32 to index
      %swap3A_453 = arith.constant 208 : index
      %swap3A_454 = tpu.vector_load %arg7[%swap3A_452, %swap3A_453] {strides = array<i32>} : memref<1x256xf32, #tpu.memory_space<vmem>>, vector<1x16xf32>,
      %swap3A_455 = vector.shape_cast %swap3A_454 : vector<1x16xf32> to vector<16xf32>
      %swap3A_456 = vector.shape_cast %mul3A_450 : vector<16xf32> to vector<1x16xf32>
      tpu.vector_store %arg7[%swap3A_452, %swap3A_453], %swap3A_456 {strides = array<i32>} : memref<1x256xf32, #tpu.memory_space<vmem>>, vector<1x16xf32>,
      %get3A_457 = arith.constant 0 : i32
      %get3A_458 = arith.index_cast %get3A_457 : i32 to index
      %get3A_459 = arith.constant 224 : index
      %get3A_460 = tpu.vector_load %arg6[%get3A_458, %get3A_459] {strides = array<i32>} : memref<4x256xf32, #tpu.memory_space<vmem>>, vector<1x16xf32>,
      %get3A_461 = vector.shape_cast %get3A_460 : vector<1x16xf32> to vector<16xf32>
      %get3A_462 = arith.constant 1 : i32
      %get3A_463 = arith.index_cast %get3A_462 : i32 to index
      %get3A_464 = arith.constant 224 : index
      %get3A_465 = tpu.vector_load %arg6[%get3A_463, %get3A_464] {strides = array<i32>} : memref<4x256xf32, #tpu.memory_space<vmem>>, vector<1x16xf32>,
      %get3A_466 = vector.shape_cast %get3A_465 : vector<1x16xf32> to vector<16xf32>
      %add3A_467 = arith.addf %get3A_461, %get3A_466 : vector<16xf32>
      %get3A_468 = arith.constant 2 : i32
      %get3A_469 = arith.index_cast %get3A_468 : i32 to index
      %get3A_470 = arith.constant 224 : index
      %get3A_471 = tpu.vector_load %arg6[%get3A_469, %get3A_470] {strides = array<i32>} : memref<4x256xf32, #tpu.memory_space<vmem>>, vector<1x16xf32>,
      %get3A_472 = vector.shape_cast %get3A_471 : vector<1x16xf32> to vector<16xf32>
      %add3A_473 = arith.addf %add3A_467, %get3A_472 : vector<16xf32>
      %get3A_474 = arith.constant 3 : i32
      %get3A_475 = arith.index_cast %get3A_474 : i32 to index
      %get3A_476 = arith.constant 224 : index
      %get3A_477 = tpu.vector_load %arg6[%get3A_475, %get3A_476] {strides = array<i32>} : memref<4x256xf32, #tpu.memory_space<vmem>>, vector<1x16xf32>,
      %get3A_478 = vector.shape_cast %get3A_477 : vector<1x16xf32> to vector<16xf32>
      %add3A_479 = arith.addf %add3A_473, %get3A_478 : vector<16xf32>
      %mul3A_480 = arith.constant 2.500000e-01 : f32
      %mul3A_481 = vector.broadcast %mul3A_480 : f32 to vector<16xf32>
      %mul3A_482 = arith.mulf %add3A_479, %mul3A_481 : vector<16xf32>
      %swap3A_483 = arith.constant 0 : i32
      %swap3A_484 = arith.index_cast %swap3A_483 : i32 to index
      %swap3A_485 = arith.constant 224 : index
      %swap3A_486 = tpu.vector_load %arg7[%swap3A_484, %swap3A_485] {strides = array<i32>} : memref<1x256xf32, #tpu.memory_space<vmem>>, vector<1x16xf32>,
      %swap3A_487 = vector.shape_cast %swap3A_486 : vector<1x16xf32> to vector<16xf32>
      %swap3A_488 = vector.shape_cast %mul3A_482 : vector<16xf32> to vector<1x16xf32>
      tpu.vector_store %arg7[%swap3A_484, %swap3A_485], %swap3A_488 {strides = array<i32>} : memref<1x256xf32, #tpu.memory_space<vmem>>, vector<1x16xf32>,
      %get3A_489 = arith.constant 0 : i32
      %get3A_490 = arith.index_cast %get3A_489 : i32 to index
      %get3A_491 = arith.constant 240 : index
      %get3A_492 = tpu.vector_load %arg6[%get3A_490, %get3A_491] {strides = array<i32>} : memref<4x256xf32, #tpu.memory_space<vmem>>, vector<1x16xf32>,
      %get3A_493 = vector.shape_cast %get3A_492 : vector<1x16xf32> to vector<16xf32>
      %get3A_494 = arith.constant 1 : i32
      %get3A_495 = arith.index_cast %get3A_494 : i32 to index
      %get3A_496 = arith.constant 240 : index
      %get3A_497 = tpu.vector_load %arg6[%get3A_495, %get3A_496] {strides = array<i32>} : memref<4x256xf32, #tpu.memory_space<vmem>>, vector<1x16xf32>,
      %get3A_498 = vector.shape_cast %get3A_497 : vector<1x16xf32> to vector<16xf32>
      %add3A_499 = arith.addf %get3A_493, %get3A_498 : vector<16xf32>
      %get3A_500 = arith.constant 2 : i32
      %get3A_501 = arith.index_cast %get3A_500 : i32 to index
      %get3A_502 = arith.constant 240 : index
      %get3A_503 = tpu.vector_load %arg6[%get3A_501, %get3A_502] {strides = array<i32>} : memref<4x256xf32, #tpu.memory_space<vmem>>, vector<1x16xf32>,
      %get3A_504 = vector.shape_cast %get3A_503 : vector<1x16xf32> to vector<16xf32>
      %add3A_505 = arith.addf %add3A_499, %get3A_504 : vector<16xf32>
      %get3A_506 = arith.constant 3 : i32
      %get3A_507 = arith.index_cast %get3A_506 : i32 to index
      %get3A_508 = arith.constant 240 : index
      %get3A_509 = tpu.vector_load %arg6[%get3A_507, %get3A_508] {strides = array<i32>} : memref<4x256xf32, #tpu.memory_space<vmem>>, vector<1x16xf32>,
      %get3A_510 = vector.shape_cast %get3A_509 : vector<1x16xf32> to vector<16xf32>
      %add3A_511 = arith.addf %add3A_505, %get3A_510 : vector<16xf32>
      %mul3A_512 = arith.constant 2.500000e-01 : f32
      %mul3A_513 = vector.broadcast %mul3A_512 : f32 to vector<16xf32>
      %mul3A_514 = arith.mulf %add3A_511, %mul3A_513 : vector<16xf32>
      %swap3A_515 = arith.constant 0 : i32
      %swap3A_516 = arith.index_cast %swap3A_515 : i32 to index
      %swap3A_517 = arith.constant 240 : index
      %swap3A_518 = tpu.vector_load %arg7[%swap3A_516, %swap3A_517] {strides = array<i32>} : memref<1x256xf32, #tpu.memory_space<vmem>>, vector<1x16xf32>,
      %swap3A_519 = vector.shape_cast %swap3A_518 : vector<1x16xf32> to vector<16xf32>
      %swap3A_520 = vector.shape_cast %mul3A_514 : vector<16xf32> to vector<1x16xf32>
      tpu.vector_store %arg7[%swap3A_516, %swap3A_517], %swap3A_520 {strides = array<i32>} : memref<1x256xf32, #tpu.memory_space<vmem>>, vector<1x16xf32>,
      "tpu.region"() ({
        %run_scoped3A = tpu.sem_alloc : memref<!tpu.dma_semaphore, #tpu.memory_space<semaphore_mem>>
        %dma_start3A_521 = arith.constant 0 : i32
        %dma_start3A_522 = tpu.memref_slice %arg4[%add3A, %dma_start3A_521] : memref<10x256xf32, #tpu.memory_space<hbm>> -> memref<1x256xf32, #tpu.memory_space<hbm>>
        %dma_start3A_523 = arith.constant 0 : i32
        %dma_start3A_524 = tpu.memref_slice %arg4[%add3A, %dma_start3A_523] : memref<10x256xf32, #tpu.memory_space<hbm>> -> memref<1x256xf32, #tpu.memory_space<hbm>>
        tpu.enqueue_dma source(%arg7 : memref<1x256xf32, #tpu.memory_space<vmem>>) target(%dma_start3A_524 : memref<1x256xf32, #tpu.memory_space<hbm>>) target_semaphore(%run_scoped3A : memref<!tpu.dma_semaphore, #tpu.memory_space<semaphore_mem>>)
        %dma_wait3A_525 = arith.constant 0 : i32
        %dma_wait3A_526 = tpu.memref_slice %arg4[%add3A, %dma_wait3A_525] : memref<10x256xf32, #tpu.memory_space<hbm>> -> memref<1x256xf32, #tpu.memory_space<hbm>>
        %dma_wait3A_527 = arith.constant 0 : i32
        %dma_wait3A_528 = tpu.memref_slice %arg4[%add3A, %dma_wait3A_527] : memref<10x256xf32, #tpu.memory_space<hbm>> -> memref<1x256xf32, #tpu.memory_space<hbm>>
        tpu.wait_dma2 semaphore(%run_scoped3A : memref<!tpu.dma_semaphore, #tpu.memory_space<semaphore_mem>>) src(%arg7 : memref<1x256xf32, #tpu.memory_space<vmem>>) dst(%dma_wait3A_528 : memref<1x256xf32, #tpu.memory_space<hbm>>)
        tpu.yield
      }) : () -> ()
    } else {
    }
    return
  }
}

module attributes {stable_mosaic.version = 14 : i64} {
  func.func @_tc_body(%arg0: memref<10x256xf32, #tpu.memory_space<vmem>>, %arg1: memref<10x256xf32, #tpu.memory_space<vmem>>, %arg2: memref<10x256xf32, #tpu.memory_space<vmem>>, %arg3: memref<512x512xf32, #tpu.memory_space<vmem>>, %arg4: memref<512xf32, #tpu.memory_space<vmem>>, %arg5: memref<512x256xf32, #tpu.memory_space<vmem>>, %arg6: memref<512xf32, #tpu.memory_space<vmem>>, %arg7: memref<10x512xf32, #tpu.memory_space<vmem>>, %arg8: memref<10x512xf32, #tpu.memory_space<vmem>>) attributes {dimension_semantics = [], scalar_prefetch = 0 : i64, scratch_operands = 0 : i64, tpu.core_type = #tpu.core_type<tc>} {
    %get3A = arith.constant 0 : index
    %get3A_0 = arith.constant 0 : index
    %get3A_1 = vector.load %arg0[%get3A, %get3A_0] : memref<10x256xf32, #tpu.memory_space<vmem>>, vector<10x256xf32>
    %get3A_2 = arith.constant 0 : index
    %get3A_3 = arith.constant 0 : index
    %get3A_4 = vector.load %arg1[%get3A_2, %get3A_3] : memref<10x256xf32, #tpu.memory_space<vmem>>, vector<10x256xf32>
    %concatenate3A = tpu.concatenate %get3A_1, %get3A_4 in 1 : vector<10x256xf32>, vector<10x256xf32> -> vector<10x512xf32>
    %get3A_5 = arith.constant 0 : index
    %get3A_6 = arith.constant 0 : index
    %get3A_7 = vector.load %arg3[%get3A_5, %get3A_6] : memref<512x512xf32, #tpu.memory_space<vmem>>, vector<512x512xf32>
    %dot_general3A = arith.constant dense<0.000000e+00> : vector<10x512xf32>
    %dot_general3A_8 = tpu.matmul %concatenate3A, %get3A_7, %dot_general3A {dimension_numbers = #tpu.dot_dimension_numbers<[1], [1], [0], [0], [0, 0, 1, 0], [], []>, transpose_lhs_hint = false} : vector<10x512xf32>, vector<512x512xf32>, vector<10x512xf32> -> vector<10x512xf32>
    %get3A_9 = arith.constant 0 : index
    %get3A_10 = vector.load %arg4[%get3A_9] : memref<512xf32, #tpu.memory_space<vmem>>, vector<512xf32>
    %broadcast_in_dim3A = vector.shape_cast %get3A_10 : vector<512xf32> to vector<1x512xf32>
    %add3A = vector.broadcast %broadcast_in_dim3A : vector<1x512xf32> to vector<10x512xf32>
    %add3A_11 = arith.addf %dot_general3A_8, %add3A : vector<10x512xf32>
    %swap3A = arith.constant 0 : index
    %swap3A_12 = arith.constant 0 : index
    %swap3A_13 = vector.load %arg7[%swap3A, %swap3A_12] : memref<10x512xf32, #tpu.memory_space<vmem>>, vector<10x512xf32>
    tpu.vector_store %arg7[%swap3A, %swap3A_12], %add3A_11 {strides = array<i32>} : memref<10x512xf32, #tpu.memory_space<vmem>>, vector<10x512xf32>,
    %get3A_14 = arith.constant 0 : index
    %get3A_15 = arith.constant 0 : index
    %get3A_16 = vector.load %arg2[%get3A_14, %get3A_15] : memref<10x256xf32, #tpu.memory_space<vmem>>, vector<10x256xf32>
    %get3A_17 = arith.constant 0 : index
    %get3A_18 = arith.constant 0 : index
    %get3A_19 = vector.load %arg5[%get3A_17, %get3A_18] : memref<512x256xf32, #tpu.memory_space<vmem>>, vector<512x256xf32>
    %dot_general3A_20 = arith.constant dense<0.000000e+00> : vector<10x512xf32>
    %dot_general3A_21 = tpu.matmul %get3A_16, %get3A_19, %dot_general3A_20 {dimension_numbers = #tpu.dot_dimension_numbers<[1], [1], [0], [0], [0, 0, 1, 0], [], []>, transpose_lhs_hint = false} : vector<10x256xf32>, vector<512x256xf32>, vector<10x512xf32> -> vector<10x512xf32>
    %get3A_22 = arith.constant 0 : index
    %get3A_23 = vector.load %arg6[%get3A_22] : memref<512xf32, #tpu.memory_space<vmem>>, vector<512xf32>
    %broadcast_in_dim3A_24 = vector.shape_cast %get3A_23 : vector<512xf32> to vector<1x512xf32>
    %add3A_25 = vector.broadcast %broadcast_in_dim3A_24 : vector<1x512xf32> to vector<10x512xf32>
    %add3A_26 = arith.addf %dot_general3A_21, %add3A_25 : vector<10x512xf32>
    %swap3A_27 = arith.constant 0 : index
    %swap3A_28 = arith.constant 0 : index
    %swap3A_29 = vector.load %arg8[%swap3A_27, %swap3A_28] : memref<10x512xf32, #tpu.memory_space<vmem>>, vector<10x512xf32>
    tpu.vector_store %arg8[%swap3A_27, %swap3A_28], %add3A_26 {strides = array<i32>} : memref<10x512xf32, #tpu.memory_space<vmem>>, vector<10x512xf32>,
    return
  }
}

</mosaic_0001>

<sc_bundles>
// kernel: kernel.4.cloned.1.call-start
scs
__scs_entry_jumppad:
0x0: {  	(pc) =	sbr.rel $0x88, $3  }
0x1: {  	(tag) =	ssettag $0x0;
	lr =	simm.s32 $0x1  }
0x2: {  	[smem:$0x3F9A] =	sst lr;
	_ =	strace $0xD0000000  }
0x3: {  	_ = 	snop  }
0x4: {  	_ = 	snop  }
0x5: {  	_ = 	snop  }
0x6: {  	_ = 	snop  }
0x7: {  	_ = 	snop  }
__scs_overlays_trampoline_lowered:
0x8: {  	[smem:$0x3FA9] =	sst s0  }
0x9: {  	[smem:$0x3FAA] =	sst s1  }
0xa: {  	[smem:$0x3FAB] =	sst s2  }
0xb: {  	[smem:$0x3FAC] =	sst s3  }
0xc: {  	[smem:$0x3FAD] =	sst s4  }
0xd: {  	[smem:$0x3FAE] =	sst s5  }
0xe: {  	[smem:$0x3FAF] =	sst s6  }
0xf: {  	[smem:$0x3FB0] =	sst s7  }
0x10: {  	[smem:$0x3FB1] =	sst s8  }
0x11: {  	[smem:$0x3FB2] =	sst s9;
	s0 =	simm.s32 @!p0 $0x0  }
0x12: {  	s1 =	sld [smem:$0x3F98];
	s0 =	simm.s32 @p0 $0x1  }
0x13: {  	[smem:$0x3FB3] =	sst s0;
	s0 =	simm.s32 @!p1 $0x0  }
0x14: {  	s2 =	sld [smem:$0x3F97];
	s0 =	simm.s32 @p1 $0x1  }
0x15: {  	[smem:$0x3FB4] =	sst s0;
	s0 =	simm.s32 @!p2 $0x0  }
0x16: {  	s3 =	sld [smem:$0x3FDB];
	s0 =	simm.s32 @p2 $0x1  }
0x17: {  	s4 =	simm.s32 $0x1BF5;
	[smem:$0x3FB6] =	sst s0  }
0x18: {  	s0 =	sld [smem:$0x3F99];
	_ =	swait.ge [sflag:s4], $0x0  }
0x19: {  	s7 =	sld [smem:$0x3F9A]  }
0x1a: {  	s8 =	sadd.s32 $0xFFFFE003, lr  }
0x1b: {  	s9 =	sadd.s32 $0xFFFFFEF7, lr;
	s5 =	simm.s32 $0xFFFFFFFF;
	p2 =	slt.u32 s8, $0xFFFFF086  }
0x1c: {  	p1 =	slt.u32 s9, $0xF7A;
	s5 =	simm.s32 @!p2 $0x0  }
0x1d: {  	s5 =	simm.s32 @p1 $0x1;
	p0 =	seq.s32 s7, s2  }
0x1e: {  	s7 =	smul.u32 @!p0 $0xF7A, s2;
	p2 =	seq.s32 @!p0 s5, $0x0  }
0x1f: {  	s9 =	smul.u32 $0xF7A, s1;
	s8 =	simm.s32 @!p0 $0x1BF5;
	p2 =	por !p2, p0  }
0x20: {  	[sflag:s8] =	ssyncset.s32 @!p0 $0xFFFFF086;
	s6 =	sadd.s32 @!p0 s3, s7;
	s7 =	simm.s32 @!p0 $0x108  }
0x21: {  	s3 =	sadd.s32 s3, s9;
	s6 =	sadd.s32 @!p0 $0x88, s6;
	s7 =	simm.s32 @p2 $0x1082  }
0x22: {  	[simem:s7], [sflag:s8] =	dma.local @!p0 [hbm:s6], $0xF7A  }
0x23: {  	s9 =	sor.u32 $0xD0000000, s2;
	s6 =	simm.s32 $0x108;
	_ =	swait.ge @!p0 [sflag:s8], $0x0  }
0x24: {  	s3 =	sadd.s32 $0x88, s3;
	s6 =	simm.s32 @!p1 $0x1082;
	[sflag:s4] =	ssyncset.s32 $0xFFFFF086  }
0x25: {  	[simem:s6], [sflag:s4] =	dma.local [hbm:s3], $0xF7A  }
0x26: {  	[smem:$0x3F9A] =	sst s1;
	(tag) =	ssettag s2;
	_ =	strace s9  }
0x27: {  	s1 =	sld [smem:$0x3FAA]  }
0x28: {  	s2 =	sld [smem:$0x3FAB]  }
0x29: {  	s4 =	sld [smem:$0x3FAD]  }
0x2a: {  	p0 =	seq.s32 s5, $0x0;
	s5 =	sld [smem:$0x3FAE]  }
0x2b: {  	s6 =	sld [smem:$0x3FAF]  }
0x2c: {  	s7 =	sld [smem:$0x3FB0]  }
0x2d: {  	s3 =	simm.s32 $0x108;
	s8 =	sld [smem:$0x3FB1]  }
0x2e: {  	s3 =	simm.s32 @!p0 $0x1082;
	s9 =	sld [smem:$0x3FB2]  }
0x2f: {  	lr =	sadd.s32 s0, s3;
	s0 =	sld [smem:$0x3FA9]  }
0x30: {  	s3 =	sld [smem:$0x3FAC]  }
0x31: {  	[smem:$0x3FB5] =	sst s10  }
0x32: {  	s10 =	sld [smem:$0x3FB3];
	_ =	sdelay $0x3  }
0x33: {  	p0 =	seq.s32 s10, $0x1;
	s10 =	sld [smem:$0x3FB5];
	_ =	sdelay $0x3  }
0x34: {  	[smem:$0x3FB5] =	sst s10  }
0x35: {  	s10 =	sld [smem:$0x3FB4];
	_ =	sdelay $0x3  }
0x36: {  	p1 =	seq.s32 s10, $0x1;
	s10 =	sld [smem:$0x3FB5];
	_ =	sdelay $0x3  }
0x37: {  	[smem:$0x3FB5] =	sst s10  }
0x38: {  	s10 =	sld [smem:$0x3FB6]  }
0x39: {  	_ = 	snop;
	(pc) =	sbr.ind lr, $3  }
0x3a: {  	_ = 	snop  }
0x3b: {  	_ = 	snop  }
0x3c: {  	p2 =	seq.s32 s10, $0x1;
	s10 =	sld [smem:$0x3FB5]  }
0x3d: {  	_ =	shalt  }
0x3e: {  	_ =	shalt  }
0x3f: {  	_ =	shalt  }
0x40: {  	_ =	shalt  }
0x41: {  	_ =	shalt  }
0x42: {  	_ =	shalt  }
0x43: {  	_ =	shalt  }
0x44: {  	_ =	shalt  }
0x45: {  	_ =	shalt  }
0x46: {  	_ =	shalt  }
0x47: {  	_ =	shalt  }
0x48: {  	_ =	shalt  }
0x49: {  	_ =	shalt  }
0x4a: {  	_ =	shalt  }
0x4b: {  	_ =	shalt  }
0x4c: {  	_ =	shalt  }
0x4d: {  	_ =	shalt  }
0x4e: {  	_ =	shalt  }
0x4f: {  	_ =	shalt  }
0x50: {  	_ =	shalt  }
0x51: {  	_ =	shalt  }
0x52: {  	_ =	shalt  }
0x53: {  	_ =	shalt  }
0x54: {  	_ =	shalt  }
0x55: {  	_ =	shalt  }
0x56: {  	_ =	shalt  }
0x57: {  	_ =	shalt  }
0x58: {  	_ =	shalt  }
0x59: {  	_ =	shalt  }
0x5a: {  	_ =	shalt  }
0x5b: {  	_ =	shalt  }
0x5c: {  	_ =	shalt  }
0x5d: {  	_ =	shalt  }
0x5e: {  	_ =	shalt  }
0x5f: {  	_ =	shalt  }
0x60: {  	_ =	shalt  }
0x61: {  	_ =	shalt  }
0x62: {  	_ =	shalt  }
0x63: {  	_ =	shalt  }
0x64: {  	_ =	shalt  }
0x65: {  	_ =	shalt  }
0x66: {  	_ =	shalt  }
0x67: {  	_ =	shalt  }
0x68: {  	_ =	shalt  }
0x69: {  	_ =	shalt  }
0x6a: {  	_ =	shalt  }
0x6b: {  	_ =	shalt  }
0x6c: {  	_ =	shalt  }
0x6d: {  	_ =	shalt  }
0x6e: {  	_ =	shalt  }
0x6f: {  	_ =	shalt  }
0x70: {  	_ =	shalt  }
0x71: {  	_ =	shalt  }
0x72: {  	_ =	shalt  }
0x73: {  	_ =	shalt  }
0x74: {  	_ =	shalt  }
0x75: {  	_ =	shalt  }
0x76: {  	_ =	shalt  }
0x77: {  	_ =	shalt  }
0x78: {  	_ =	shalt  }
0x79: {  	_ =	shalt  }
0x7a: {  	_ =	shalt  }
0x7b: {  	_ =	shalt  }
0x7c: {  	_ =	shalt  }
0x7d: {  	_ =	shalt  }
0x7e: {  	_ =	shalt  }
0x7f: {  	_ =	shalt  }
0x80: {  	_ =	shalt  }
0x81: {  	_ =	shalt  }
0x82: {  	_ =	shalt  }
0x83: {  	_ =	shalt  }
0x84: {  	_ =	shalt  }
0x85: {  	_ =	shalt  }
0x86: {  	_ =	shalt  }
0x87: {  	_ =	shalt  }
.Lfunc_end0:
.L_simem_size_0:
called_computation_lowered:
.L_overlay_start_0:
0x88: {  	s2 =	sld [smem:$0x3FD9]  }
0x89: {  	s3 =	sld [smem:$0x3FFE];
	_ =	sdelay $0x1  }
0x8a: {  	s1 =	srdreg.scid  }
0x8b: {  	s0 =	sand.u32 $0x1, s1  }
0x8c: {  	s15 =	sshll.u32 s0, $0xA;
	s2 =	sadd.s32 s3, s2  }
0x8d: {  	s2 =	sadd.s32 s2, s15  }
0x8e: {  	[smem:$0x3FC1] =	sst s2  }
0x8f: {  	_ = 	snop  }
0x90: {  	s2 =	sld [smem:$0x3FD0];
	_ =	sdelay $0x2  }
0x91: {  	s4 =	simm.s32 $0xA;
	s5 =	simm.s32 $0x10;
	s16 =	sld [smem:$0x3FC8]  }
0x92: {  	[smem:s5], [sflag:s4] =	dma.local [hbm:s2], $0x1  }
0x93: {  	_ =	swait.eq [sflag:s4], $0x1  }
0x94: {  	[sflag:s4] =	ssyncset.done $0x0  }
0x95: {  	s17 =	sld [smem:$0x10];
	[sflag:s4] =	ssyncadd.s32 $0xFFFFFFFF  }
0x96: {  	s18 =	sld [smem:$0x11];
	(tm) =	ssettm $0x1  }
0x97: {  	s19 =	sld [smem:$0x3FFB];
	_ =	sdelay $0x3  }
0x98: {  	_ =	strace s19  }
0x99: {  	s5 =	sld [smem:$0x3FFC];
	_ =	sdelay $0x3  }
0x9a: {  	_ =	strace s5  }
0x9b: {  	s5 =	sld [smem:$0x3FFD];
	_ =	sdelay $0x3  }
0x9c: {  	_ =	strace s5  }
0x9d: {  	_ =	strace $0x8FFFFFFF  }
0x9e: {  	s20 =	sld [smem:$0x3FDB];
	_ =	sdelay $0x1  }
0x9f: {  	s6 =	simm.s32 $_scs_section_size  }
0xa0: {  	s7 =	simm.s32 $_size__tile_overlayer_lowered;
	s8 =	simm.s32 $_tile_overlayer_lowered  }
0xa1: {  	s23 =	simm.s32 $0x1BFF;
	s22 =	sshll.u32 s8, $0x1;
	s5 =	sadd.s32 s6, s20  }
0xa2: {  	s9 =	simm.s32 $0x0;
	s21 =	sshll.u32 s7, $0x1;
	s7 =	sadd.s32 s22, s5  }
0xa3: {  	[timem:s9], [sflag:s23] =	dma.local [hbm:s7], s21  }
0xa4: {  	_ =	swait.ge [sflag:s23], s21  }
0xa5: {  	s6 =	ssub.s32 $0x0, s21;
	[sflag:s23] =	ssyncset.done $0x0  }
0xa6: {  	[sflag:s23] =	ssyncadd.s32 s6;
	_ =	sdelay $0x1  }
0xa7: {  	s24 =	simm.s32 $0x1B8B  }
0xa8: {  	_ =	swait.ge [sflag:s24], $0x1  }
0xa9: {  	[sflag:s24] =	ssyncset.done $0x0  }
0xaa: {  	s25 =	simm.s32 $0x1B8E;
	[sflag:s24] =	ssyncadd.s32 $0xFFFFFFFF  }
0xab: {  	s26 =	simm.s32 $execute0_lowered;
	[smem:$0x3FD2] =	sst s25  }
0xac: {  	s6 =	sshll.u32 s26, $0x1;
	_ =	strace $0x80000046;
	[dreg:$0x1] =	wrdreg $0xFFFFFFFF  }
0xad: {  	s28 =	simm.s32 $_size_execute0_lowered;
	s5 =	sadd.s32 s5, s6;
	[dreg:$0x0] =	wrdreg $0x0  }
0xae: {  	s6 =	sshll.u32 s28, $0x1;
	[dreg:$0x2] =	wrdreg s5  }
0xaf: {  	[dreg:$0x3] =	wrdreg s6  }
0xb0: {  	[dreg:$0x4] =	wrdreg $0xC0  }
0xb1: {  	_ =	task [dreg:s9], $0x5FFFF  }
0xb2: {  	[dreg:$0x1] =	wrdreg $0xFFFFFFFF  }
0xb3: {  	[dreg:$0x0] =	wrdreg $0x60  }
0xb4: {  	[dreg:$0x2] =	wrdreg s17  }
0xb5: {  	[dreg:$0x3] =	wrdreg s16  }
0xb6: {  	[dreg:$0x4] =	wrdreg s18  }
0xb7: {  	[dreg:$0x5] =	wrdreg $0x9  }
0xb8: {  	_ =	task.clear_ibuf [dreg:s9], $0x6FFFF;
	_ =	strace $0x90000046  }
0xb9: {  	s29 =	simm.s32 $0x9;
	_ =	strace $0x80000048  }
0xba: {  	_ =	swait.ge [sflag:s29], $0x1  }
0xbb: {  	[sflag:s29] =	ssyncadd.s32 $0xFFFFFFFF  }
0xbc: {  	_ =	strace $0x90000048  }
0xbd: {  	_ =	sfence  }
0xbe: {  	s30 =	sld [smem:$0x0];
	_ =	sdelay $0x2  }
0xbf: {  	s31 =	sshll.u32 s1, $0xD;
	s1 =	sshrl.u32 s1, $0x2  }
0xc0: {  	s3 =	sand.u32 $0x4000, s31;
	s1 =	sadd.s32 s1, s30  }
0xc1: {  	s0 =	sor.u32 s3, s0;
	s1 =	sshll.u32 s1, $0x11  }
0xc2: {  	s0 =	sor.u32 s1, s0  }
0xc3: {  	s0 =	sadd.s32 $0x8F2B, s0  }
0xc4: {  	[sflag:s0] =	ssyncadd.remote.s32 $0x1  }
0xc5: {  	_ =	sfence.sel $0xFFFF  }
0xc6: {  	[dreg:$0x0] =	wrdreg $0xFFFFFFFF;
	(pc) =	sbr.abs _section_cstart, $3  }
0xc7: {  	[dreg:$0x1] =	wrdreg $0xFFFFFFFF  }
0xc8: {  	_ =	task.clear_ibuf [dreg:s9], $0x2FFFF;
	_ =	strace $0x9FFFFFFF  }
0xc9: {  	(tm) =	ssettm $0x7FFFFFFF  }
tec
execute0_lowered:
.L_overlay_start_1:
0x0: {  	(tag) =	ssettag $0x1  }
0x1: {  	s1 =	stileid.u32  }
0x2: {  	p0 =	sgt.u32 s1, $0x4  }
.Ltmp0:
0x3: {  	s5 =	rddreg [dreg:$0x0];
	(pc) =	sbr.rel @p0 .LBB2_3-.Ltmp0, $4  }
0x4: {  	s2 =	rddreg [dreg:$0x1]  }
0x5: {  	s4 =	rddreg [dreg:$0x2];
	s3 =	simm.s32 $0x0  }
0x6: {  	[smem:$0x7FF] =	sst s3  }
0x7: {  	s0 =	rddreg [dreg:$0x3];
	_ =	strace $0x80000047  }
0x8: {  	s6 =	srdreg.scid;
	s7 =	sshll.u32 s1, $0x8;
	s8 =	sshrl.u32 s1, $0x2  }
0x9: {  	s10 =	simm.s32 $0x400;
	s11 =	simm.s32 $0x480;
	s6 =	sand.u32 $0x1, s6  }
0xa: {  	s7 =	sand.u32 $0x300, s7;
	s29 =	sshll.u32 s8, $0xB;
	s9 =	sshll.u32 s6, $0x7  }
0xb: {  	s8 =	sshll.u32 s8, $0xA;
	s6 =	ssub.s32 $0x2, s6;
	s7 =	sor.u32 s9, s7  }
0xc: {  	s31 =	sshrl.u32 s6, $0x1;
	s9 =	sor.u32 s29, s7;
	s7 =	sor.u32 s8, s7  }
0xd: {  	v0 =	vlaneseq.u32;
	s6 =	ssub.s32 s6, s31;
	s8 =	simm.s32 $0x80;
	s30 =	sshrl.u32 s9, $0x3  }
0xe: {  	v1 =	vshrl.u32 v0, $0x2;
	s7 =	sshrl.u32 s7, $0x3;
	s6 =	smax.u32 s6, $0x1;
	s9 =	simm.s32 $0x1  }
0xf: {  	vm0 =	vmmov $0xff;
	v0 =	vand.u32 $0x3, v0;
	v1 =	vmul.u32 $0x8, v1;
	s4 =	sadd.s32 s4, s30;
	s5 =	sadd.s32 s5, s7;
	s7 =	simm.s32 $0x2  }
.LBB2_2:
0x10: {  	[tilespmem:s3], [sflag:$0x2] =	stream.linear.gather [hbm4b:s5+s3], $0x80, $0x38;
	[tilespmem:$0x580] =	vst v63  }
0x11: {  	_ =	swait.ge [sflag:s7], $0x80  }
0x12: {  	[sflag:s7] =	ssyncset.done $0x0  }
0x13: {  	[sflag:s7] =	ssyncadd.s32 $0xFFFFFF80  }
0x14: {  	v2 =	vld.msk [tilespmem:$0x0], $0xf;
	_ =	sdelay $0x4  }
0x15: {  	v3 =	vshll.u32 v2, $0x1  }
0x16: {  	v2 =	vand.u32 $0x7, v2;
	v3 =	vand.u32 $0xFFFFFFF0, v3  }
0x17: {  	v2 =	vor.u32 v2, v3  }
0x18: {  	v2 =	vperm.xlane v2, v0;
	_ =	sdelay $0x1  }
0x19: {  	v2 =	vadd.s32 v1, v2;
	_ =	sdelay $0x4  }
0x1a: {  	[tilespmem:s8], [sflag:$0x1] =	stream.indirect_vreg.gather [hbm4b:s2+s3], $0x80, v2, vm0, $0xb8;
	[tilespmem:$0x580] =	vst v63  }
0x1b: {  	_ =	swait.ge [sflag:s9], $0x400  }
0x1c: {  	[sflag:s9] =	ssyncset.done $0x0  }
0x1d: {  	[sflag:s9] =	ssyncadd.s32 $0xFFFFFC00  }
0x1e: {  	v2 =	vld [tilespmem:$0x80]  }
0x1f: {  	v3 =	vld [tilespmem:$0x100]  }
0x20: {  	v4 =	vld [tilespmem:$0x180]  }
0x21: {  	v5 =	vld [tilespmem:$0x200]  }
0x22: {  	v6 =	vld [tilespmem:$0x90]  }
0x23: {  	v7 =	vld [tilespmem:$0x110]  }
0x24: {  	v8 =	vld [tilespmem:$0x190]  }
0x25: {  	v9 =	vld [tilespmem:$0x210]  }
0x26: {  	v10 =	vld [tilespmem:$0xA0]  }
0x27: {  	v11 =	vld [tilespmem:$0x120]  }
0x28: {  	v12 =	vld [tilespmem:$0x1A0]  }
0x29: {  	v13 =	vld [tilespmem:$0x220]  }
0x2a: {  	v14 =	vld [tilespmem:$0xB0]  }
0x2b: {  	v15 =	vld [tilespmem:$0x130]  }
0x2c: {  	v16 =	vld [tilespmem:$0x1B0]  }
0x2d: {  	v17 =	vld [tilespmem:$0x230]  }
0x2e: {  	v18 =	vld [tilespmem:$0xC0]  }
0x2f: {  	v19 =	vld [tilespmem:$0x140]  }
0x30: {  	v20 =	vld [tilespmem:$0x1C0]  }
0x31: {  	v21 =	vld [tilespmem:$0x240]  }
0x32: {  	v22 =	vld [tilespmem:$0xD0]  }
0x33: {  	v23 =	vld [tilespmem:$0x150]  }
0x34: {  	v24 =	vld [tilespmem:$0x1D0]  }
0x35: {  	v25 =	vld [tilespmem:$0x250]  }
0x36: {  	v26 =	vld [tilespmem:$0xE0]  }
0x37: {  	v27 =	vld [tilespmem:$0x160]  }
0x38: {  	v28 =	vld [tilespmem:$0x1E0]  }
0x39: {  	v29 =	vld [tilespmem:$0x260]  }
0x3a: {  	v30 =	vld [tilespmem:$0xF0]  }
0x3b: {  	v31 =	vld [tilespmem:$0x170]  }
0x3c: {  	v32 =	vld [tilespmem:$0x1F0]  }
0x3d: {  	v33 =	vld [tilespmem:$0x270]  }
0x3e: {  	v34 =	vld [tilespmem:$0x280]  }
0x3f: {  	v35 =	vld [tilespmem:$0x300]  }
0x40: {  	v36 =	vld [tilespmem:$0x380]  }
0x41: {  	v37 =	vld [tilespmem:$0x400]  }
0x42: {  	v38 =	vld [tilespmem:$0x290]  }
0x43: {  	v39 =	vld [tilespmem:$0x310]  }
0x44: {  	v40 =	vld [tilespmem:$0x390]  }
0x45: {  	v41 =	vld [tilespmem:$0x410]  }
0x46: {  	v42 =	vld [tilespmem:$0x2A0]  }
0x47: {  	v43 =	vld [tilespmem:$0x320]  }
0x48: {  	v44 =	vld [tilespmem:$0x3A0]  }
0x49: {  	v49 =	vld [tilespmem:$0x2B0]  }
0x4a: {  	v51 =	vld [tilespmem:$0x330];
	v2 =	vadd.f32 v3, v2;
	v6 =	vadd.f32 v7, v6  }
0x4b: {  	v53 =	vld [tilespmem:$0x3B0];
	v50 =	vadd.f32 v11, v10;
	v52 =	vadd.f32 v15, v14  }
0x4c: {  	v54 =	vld [tilespmem:$0x430];
	v56 =	vadd.f32 v19, v18;
	v58 =	vadd.f32 v23, v22  }
0x4d: {  	v55 =	vld [tilespmem:$0x2C0];
	v60 =	vadd.f32 v27, v26;
	v62 =	vadd.f32 v31, v30  }
0x4e: {  	v57 =	vld [tilespmem:$0x340];
	v31 =	vadd.f32 v35, v34;
	v34 =	vadd.f32 v39, v38  }
0x4f: {  	v59 =	vld [tilespmem:$0x3C0];
	v38 =	vadd.f32 v43, v42;
	v7 =	vadd.f32 v51, v49  }
0x50: {  	v61 =	vld [tilespmem:$0x440];
	v2 =	vadd.f32 v4, v2;
	v6 =	vadd.f32 v8, v6  }
0x51: {  	v63 =	vld [tilespmem:$0x2D0];
	v4 =	vadd.f32 v12, v50;
	v8 =	vadd.f32 v16, v52  }
0x52: {  	v46 =	vld [tilespmem:$0x370];
	v12 =	vadd.f32 v20, v56;
	v14 =	vadd.f32 v24, v58  }
0x53: {  	v48 =	vld [tilespmem:$0x3E0];
	v16 =	vadd.f32 v28, v60;
	v2 =	vadd.f32 v5, v2  }
0x54: {  	v3 =	vld [tilespmem:$0x420];
	v18 =	vadd.f32 v32, v62;
	v6 =	vadd.f32 v9, v6  }
0x55: {  	v35 =	vld [tilespmem:$0x2E0];
	v40 =	vadd.f32 v40, v34;
	v4 =	vadd.f32 v13, v4;
	v2 =	vmul.f32 $2.500000000e-01, v2  }
0x56: {  	v39 =	vld [tilespmem:$0x360];
	v45 =	vadd.f32 v44, v38;
	v8 =	vadd.f32 v17, v8;
	v6 =	vmul.f32 $2.500000000e-01, v6  }
0x57: {  	v28 =	vld [tilespmem:$0x350];
	v7 =	vadd.f32 v53, v7;
	v12 =	vadd.f32 v21, v12;
	v4 =	vmul.f32 $2.500000000e-01, v4;
	[tilespmem:$0x480] =	vst v2  }
0x58: {  	v42 =	vld [tilespmem:$0x2F0];
	v14 =	vadd.f32 v25, v14;
	v16 =	vadd.f32 v29, v16;
	v8 =	vmul.f32 $2.500000000e-01, v8;
	[tilespmem:$0x490] =	vst v6  }
0x59: {  	v30 =	vld [tilespmem:$0x3D0];
	v18 =	vadd.f32 v33, v18;
	v43 =	vmul.f32 $2.500000000e-01, v12;
	v2 =	vadd.f32 v36, v31;
	[tilespmem:$0x4A0] =	vst v4  }
0x5a: {  	v32 =	vld [tilespmem:$0x450];
	v9 =	vadd.f32 v57, v55;
	v5 =	vadd.f32 v54, v7;
	v47 =	vmul.f32 $2.500000000e-01, v14;
	[tilespmem:$0x4B0] =	vst v8  }
0x5b: {  	v50 =	vld [tilespmem:$0x3F0];
	v3 =	vadd.f32 v3, v45;
	v49 =	vmul.f32 $2.500000000e-01, v16;
	[tilespmem:$0x4C0] =	vst v43;
	v2 =	vadd.f32 v37, v2  }
0x5c: {  	v53 =	vld [tilespmem:$0x460];
	v55 =	vadd.f32 v39, v35;
	v51 =	vmul.f32 $2.500000000e-01, v18;
	v52 =	vadd.f32 v28, v63;
	[tilespmem:$0x4D0] =	vst v47  }
0x5d: {  	v56 =	vld [tilespmem:$0x470];
	v58 =	vadd.f32 v46, v42;
	v54 =	vadd.f32 v59, v9;
	[tilespmem:$0x4E0] =	vst v49;
	v2 =	vmul.f32 $2.500000000e-01, v2  }
0x5e: {  	v5 =	vmul.f32 $2.500000000e-01, v5;
	v6 =	vadd.f32 v41, v40;
	[tilespmem:$0x4F0] =	vst v51;
	v57 =	vadd.f32 v30, v52  }
0x5f: {  	v59 =	vadd.f32 v48, v55;
	v3 =	vmul.f32 $2.500000000e-01, v3;
	[tilespmem:$0x500] =	vst v2;
	v2 =	vadd.f32 v61, v54  }
0x60: {  	[tilespmem:$0x530] =	vst v5;
	v6 =	vmul.f32 $2.500000000e-01, v6;
	v60 =	vadd.f32 v32, v57;
	v61 =	vadd.f32 v50, v58  }
0x61: {  	[tilespmem:$0x520] =	vst v3;
	v3 =	vadd.f32 v53, v59;
	v2 =	vmul.f32 $2.500000000e-01, v2  }
0x62: {  	[tilespmem:$0x510] =	vst v6;
	v63 =	vmul.f32 $2.500000000e-01, v60;
	v62 =	vadd.f32 v56, v61  }
0x63: {  	[tilespmem:$0x540] =	vst v2;
	v2 =	vmul.f32 $2.500000000e-01, v3  }
0x64: {  	[tilespmem:$0x550] =	vst v63;
	v3 =	vmul.f32 $2.500000000e-01, v62  }
0x65: {  	p0 =	sne.s32 s6, $0x1;
	[tilespmem:$0x560] =	vst v2  }
.Ltmp1:
0x66: {  	[tilespmem:$0x570] =	vst v3;
	(pc) =	sbr.rel @p0 .LBB2_2-.Ltmp1, $4  }
0x67: {  	[hbm4b:s4+s8] =	stream.strided.scatter [tilespmem:s11], [sflag:$0x2], $0x100, s10, s8, $0x38;
	[tilespmem:$0x580] =	vst v63  }
0x68: {  	_ =	swait.ge [sflag:s7], $0x100  }
0x69: {  	[sflag:s7] =	ssyncset.done $0x0  }
0x6a: {  	s6 =	sadd.s32 $0xFFFFFFFF, s6;
	[sflag:s7] =	ssyncadd.s32 $0xFFFFFF00  }
.LBB2_3:
0x6b: {  	_ =	sfence.sel $0x180000  }
0x6c: {  	[bflag:$0x0] =	sbarrier.arrive $0xFFFF  }
0x6d: {  	p0 =	sne.s32 s1, $0x0;
	_ =	strace $0x90000047  }
0x6e: {  	s0 =	sadd.s32 @!p0 $0x100000, s0;
	[bflag:$0x2] =	sbarrier.arrive $0xFFFF  }
0x6f: {  	[sflag:s0] =	ssyncadd.tile.s32 @!p0 $0x1;
	_ =	shalt  }
.Lfunc_end2:
_tile_overlayer_lowered:
.L_overlay_start_2:
0x70: {  	(tag) =	ssettag $0x2  }
0x71: {  	s0 =	rddreg [dreg:$0x0];
	s2 =	stileid.u32  }
0x72: {  	s1 =	rddreg [dreg:$0x1];
	p0 =	sne.s32 s2, $0x0  }
0x73: {  	s3 =	rddreg [dreg:$0x2];
	[bflag:$0x3] =	sbarrier.arrive $0xFFFF;
	s2 =	simm.s32 @!p0 $0x1C02  }
0x74: {  	[timem:s3], [sflag:s2] =	dma.local @!p0 [hbm:s0], s1  }
0x75: {  	s0 =	simm.s32 @!p0 $0x2  }
0x76: {  	_ =	swait.ge @!p0 [sflag:s0], s1  }
0x77: {  	s1 =	ssub.s32 @!p0 $0x0, s1;
	[sflag:s0] =	ssyncset.done @!p0 $0x0  }
0x78: {  	[sflag:s0] =	ssyncadd.s32 @!p0 s1  }
0x79: {  	[bflag:$0x3] =	sbarrier.arrive $0xFFFF  }
0x7a: {  	_ =	shalt  }

</sc_bundles>
